<compile_context>
chip_gen: v7x
topology: tpu7x:2x2x1
jax: 0.10.2.dev20260603
libtpu: 0.0.44.dev20260713+nightly
codegen_flags: <defaults>
</compile_context>

<pallas_src>
import functools

import jax
import jax.numpy as jnp
from jax import lax
from jax.experimental import pallas as pl
from jax.experimental.pallas import tpu as pltpu
from jax.experimental.pallas import tpu_sc as plsc

NC = 2
NS = 16
F = 256
FH = 128


def _sc_mesh():
  return plsc.VectorSubcoreMesh(
      core_axis_name="c", subcore_axis_name="s", num_cores=NC,
      num_subcores=NS)


def _make_deg_kernel(NP, E):
  ew = E // (NC * NS)
  assert ew % 8 == 0

  @functools.partial(
      pl.kernel,
      out_type=jax.ShapeDtypeStruct((NC, NP), jnp.float32),
      mesh=_sc_mesh(),
      scratch_types=[
          pltpu.VMEM_SHARED((NP,), jnp.float32),
          pltpu.VMEM((ew,), jnp.int32),
          pltpu.VMEM((ew,), jnp.float32),
      ],
  )
  def deg_kernel(dst_hbm, ones_hbm, zeros_hbm, out_hbm, acc_sh, idx_v, one_v):
    c = lax.axis_index("c")
    s = lax.axis_index("s")
    wid = c * NS + s

    @pl.when(s == 0)
    def _():
      pltpu.sync_copy(zeros_hbm, acc_sh)
    plsc.subcore_barrier()

    base = wid * ew
    pltpu.sync_copy(dst_hbm.at[pl.ds(base, ew)], idx_v)
    pltpu.sync_copy(ones_hbm, one_v)
    pltpu.sync_copy(one_v, acc_sh.at[idx_v], add=True)
    plsc.subcore_barrier()

    @pl.when(s == 0)
    def _():
      pltpu.sync_copy(acc_sh, out_hbm.at[c])

  return deg_kernel


def _dense1_body(x_ref, w_ref, p_ref, ylo_ref, yhi_ref, dis_ref):
  p = p_ref[0]
  dis = lax.rsqrt(1.0 + p[0, :] + p[1, :])
  xw = jnp.dot(x_ref[...], w_ref[...], preferred_element_type=jnp.float32)
  y = xw * dis[:, None]
  ylo_ref[...] = y[:, :FH]
  yhi_ref[...] = y[:, FH:]
  dis_ref[0, 0, :] = dis


def _dense1(x, W1, partials3, N, B=1000):
  grid = (N // B,)
  return pl.pallas_call(
      _dense1_body,
      grid=grid,
      in_specs=[
          pl.BlockSpec((B, F), lambda i: (i, 0)),
          pl.BlockSpec((F, F), lambda i: (0, 0)),
          pl.BlockSpec((1, NC, B), lambda i: (i, 0, 0)),
      ],
      out_specs=[
          pl.BlockSpec((B, FH), lambda i: (i, 0)),
          pl.BlockSpec((B, FH), lambda i: (i, 0)),
          pl.BlockSpec((1, 1, B), lambda i: (i, 0, 0)),
      ],
      out_shape=[
          jax.ShapeDtypeStruct((N, FH), jnp.float32),
          jax.ShapeDtypeStruct((N, FH), jnp.float32),
          jax.ShapeDtypeStruct((N // B, 1, B), jnp.float32),
      ],
  )(x, W1, partials3)


def _make_agg_kernel(N, E, K, nchunk):
  assert K % 8 == 0

  @functools.partial(
      pl.kernel,
      out_type=[
          jax.ShapeDtypeStruct((N, FH), jnp.float32),
          jax.ShapeDtypeStruct((N, FH), jnp.float32),
      ],
      mesh=_sc_mesh(),
      compiler_params=pltpu.CompilerParams(use_tc_tiling_on_sc=False),
      scratch_types=[
          pltpu.VMEM_SHARED((N, FH), jnp.float32),
          pltpu.VMEM((nchunk, K), jnp.int32),
          pltpu.VMEM((nchunk, K), jnp.int32),
          pltpu.VMEM((K, FH), jnp.float32),
      ],
  )
  def agg_kernel(src_hbm, dst_hbm, ylo_hbm, yhi_hbm, olo_hbm, ohi_hbm,
                 acc_sh, srcv, dstv, rows):
    c = lax.axis_index("c")
    s = lax.axis_index("s")

    pltpu.sync_copy(src_hbm.at[s], srcv)
    pltpu.sync_copy(dst_hbm.at[s], dstv)

    NR = N // NS

    def run(y_hbm, o_hbm):
      pltpu.sync_copy(y_hbm.at[pl.ds(s * NR, NR)],
                      acc_sh.at[pl.ds(s * NR, NR)])
      plsc.subcore_barrier()

      def chunk(j, _):
        pltpu.sync_copy(y_hbm.at[srcv.at[j]], rows)
        pltpu.sync_copy(rows, acc_sh.at[dstv.at[j]], add=True)
        return 0
      lax.fori_loop(0, nchunk, chunk, 0)
      plsc.subcore_barrier()
      pltpu.sync_copy(acc_sh.at[pl.ds(s * NR, NR)],
                      o_hbm.at[pl.ds(s * NR, NR)])

    @pl.when(c == 0)
    def _():
      run(ylo_hbm, olo_hbm)

    @pl.when(c == 1)
    def _():
      run(yhi_hbm, ohi_hbm)

  return agg_kernel


def _dense2_body(alo_ref, ahi_ref, dis_ref, b1_ref, w2_ref, z_ref):
  dis = dis_ref[0, 0, :]
  b1 = b1_ref[...]
  w2 = w2_ref[...]
  h_lo = jnp.maximum(alo_ref[...] * dis[:, None] + b1[:FH], 0.0)
  h_hi = jnp.maximum(ahi_ref[...] * dis[:, None] + b1[FH:], 0.0)
  z = (jnp.dot(h_lo, w2[:FH, :], preferred_element_type=jnp.float32)
       + jnp.dot(h_hi, w2[FH:, :], preferred_element_type=jnp.float32))
  z_ref[0, 0, :] = z[:, 0] * dis


def _dense2(acc_lo, acc_hi, dis3, b1, W2, N, B=1000):
  grid = (N // B,)
  return pl.pallas_call(
      _dense2_body,
      grid=grid,
      in_specs=[
          pl.BlockSpec((B, FH), lambda i: (i, 0)),
          pl.BlockSpec((B, FH), lambda i: (i, 0)),
          pl.BlockSpec((1, 1, B), lambda i: (i, 0, 0)),
          pl.BlockSpec((F,), lambda i: (0,)),
          pl.BlockSpec((F, 1), lambda i: (0, 0)),
      ],
      out_specs=pl.BlockSpec((1, 1, B), lambda i: (i, 0, 0)),
      out_shape=jax.ShapeDtypeStruct((N // B, 1, B), jnp.float32),
  )(acc_lo, acc_hi, dis3, b1, W2)


def _make_scal_kernel(NP, E):
  ew = E // (NC * NS)
  ewp = ((ew + 15) // 16) * 16
  assert ew % 8 == 0

  @functools.partial(
      pl.kernel,
      out_type=jax.ShapeDtypeStruct((NC, NP), jnp.float32),
      mesh=_sc_mesh(),
      compiler_params=pltpu.CompilerParams(needs_layout_passes=False),
      scratch_types=[
          pltpu.VMEM_SHARED((NP,), jnp.float32),
          pltpu.VMEM((NP,), jnp.float32),
          pltpu.VMEM((ewp,), jnp.int32),
          pltpu.VMEM((ew,), jnp.int32),
          pltpu.VMEM((ewp,), jnp.float32),
      ],
  )
  def scal_kernel(src_hbm, dst_hbm, z_hbm, zeros_hbm, out_hbm,
                  acc_sh, zloc, srcv, dstv, valv):
    c = lax.axis_index("c")
    s = lax.axis_index("s")
    wid = c * NS + s

    @pl.when((s == 0) & (c == 0))
    def _():
      pltpu.sync_copy(z_hbm, acc_sh)

    @pl.when((s == 0) & (c == 1))
    def _():
      pltpu.sync_copy(zeros_hbm, acc_sh)

    base = wid * ew
    pltpu.sync_copy(src_hbm.at[pl.ds(base, ew)], srcv.at[pl.ds(0, ew)])
    pltpu.sync_copy(dst_hbm.at[pl.ds(base, ew)], dstv)
    pltpu.sync_copy(z_hbm, zloc)

    nfull = ew // 16

    def gath(i, _):
      idx = srcv[pl.ds(i * 16, 16)]
      valv[pl.ds(i * 16, 16)] = plsc.load_gather(zloc, [idx])
      return 0
    lax.fori_loop(0, nfull, gath, 0)
    rem = ew - nfull * 16
    if rem:
      lane = lax.iota(jnp.int32, 16)
      m = lane < rem
      idx = jnp.where(m, srcv[pl.ds(nfull * 16, 16)], 0)
      valv[pl.ds(nfull * 16, 16)] = plsc.load_gather(zloc, [idx])

    plsc.subcore_barrier()
    pltpu.sync_copy(valv.at[pl.ds(0, ew)], acc_sh.at[dstv], add=True)
    plsc.subcore_barrier()

    @pl.when(s == 0)
    def _():
      pltpu.sync_copy(acc_sh, out_hbm.at[c])

  return scal_kernel


def _final_body(p_ref, dis_ref, b2_ref, o_ref):
  p = p_ref[...]
  o_ref[...] = dis_ref[...] * (p[0, :] + p[1, :]) + b2_ref[0]


def _final(partials, dis, b2, N):
  return pl.pallas_call(
      _final_body,
      out_shape=jax.ShapeDtypeStruct((N,), jnp.float32),
  )(partials, dis, b2)


def kernel(x, edge_index, W1, b1, W2, b2):
  N, _ = x.shape
  E = edge_index.shape[1]
  NP = ((N + 127) // 128) * 128
  src = edge_index[0].astype(jnp.int32)
  dst = edge_index[1].astype(jnp.int32)
  ew = E // (NC * NS)
  ones_e = jnp.ones((ew,), jnp.float32)
  zeros_np = jnp.zeros((NP,), jnp.float32)

  B = 1000
  deg_partials = _make_deg_kernel(NP, E)(dst, ones_e, zeros_np)[:, :N]
  partials3 = deg_partials.reshape(NC, N // B, B).transpose(1, 0, 2)
  y_lo, y_hi, dis3 = _dense1(x, W1, partials3, N, B)
  K = 200
  ew = E // NS
  nchunk = ew // K
  assert ew % K == 0
  src3 = src.reshape(NS, nchunk, K)
  dst3 = dst.reshape(NS, nchunk, K)
  acc_lo, acc_hi = _make_agg_kernel(N, E, K, nchunk)(src3, dst3, y_lo, y_hi)
  z3 = _dense2(acc_lo, acc_hi, dis3, b1, W2, N, B)
  z_pad = jnp.concatenate([z3.reshape(N), jnp.zeros((NP - N,), jnp.float32)])
  partials = _make_scal_kernel(NP, E)(src, dst, z_pad, zeros_np)[:, :N]
  out = _final(partials, dis3.reshape(N), b2, N)
  return out

# --- scband reference (transcript-rebuilt; emitter-appended) ---
"""Pipeline reference for scband-anomaly-gcn-2465311228003 (READ-ONLY COPY).

The authoritative reference and input builder live on the scoring server;
editing this copy changes nothing except your own understanding.
"""

import jax, jax.numpy as jnp
import numpy as np

N_NODES = 10000
N_EDGES = 160000
IN_FEAT = 256
HIDDEN = 256


def gcn_conv(x, edge_index, W, b):
    # Faithful PyG-style GCNConv: add self-loops, symmetric deg^-1/2 norm,
    # linear transform (no bias in Linear), scatter-add aggregation, then bias.
    N = x.shape[0]
    loop = jnp.arange(N, dtype=edge_index.dtype)
    src = jnp.concatenate([edge_index[0], loop])
    dst = jnp.concatenate([edge_index[1], loop])
    xw = x @ W
    deg = jnp.zeros((N,), dtype=x.dtype).at[dst].add(1.0)
    deg_inv_sqrt = jax.lax.rsqrt(jnp.clip(deg, 1.0, None))
    norm = deg_inv_sqrt[src] * deg_inv_sqrt[dst]
    msg = xw[src] * norm[:, None]
    out = jax.ops.segment_sum(msg, dst, num_segments=N)
    return out + b


def setup_inputs(seed: int = 0) -> dict:
    key = jax.random.key(seed)
    k1, k2, k3, k4 = jax.random.split(key, 4)
    x = jax.random.normal(k1, (N_NODES, IN_FEAT), dtype=jnp.float32)
    edge_index = jax.random.randint(k2, (2, N_EDGES), 0, N_NODES, dtype=jnp.int64)
    W1 = jax.random.normal(k3, (IN_FEAT, HIDDEN), dtype=jnp.float32) * (1.0 / np.sqrt(IN_FEAT))
    b1 = jnp.zeros((HIDDEN,), dtype=jnp.float32)
    W2 = jax.random.normal(k4, (HIDDEN, 1), dtype=jnp.float32) * (1.0 / np.sqrt(HIDDEN))
    b2 = jnp.zeros((1,), dtype=jnp.float32)
    return {"x": x, "edge_index": edge_index, "W1": W1, "b1": b1, "W2": W2, "b2": b2}


def reference(x, edge_index, W1, b1, W2, b2):
    h = gcn_conv(x, edge_index, W1, b1)
    h = jax.nn.relu(h)
    out = gcn_conv(h, edge_index, W2, b2)
    return out.reshape(-1)

if __name__ == "__main__":
    import jax
    _d = setup_inputs()
    print(jax.jit(kernel)(*tuple(_d.values())))

</pallas_src>

<mosaic_0001>
#map = affine_map<(d0, d1) -> (0)>
#map1 = affine_map<(d0, d1) -> (0, 0)>
module attributes {stable_mosaic.version = 14 : i64} {
  func.func @deg_kernel(%arg0: i32, %arg1: i32, %arg2: memref<160000xi32, #tpu.memory_space<hbm>>, %arg3: memref<5000xf32, #tpu.memory_space<hbm>>, %arg4: memref<10112xf32, #tpu.memory_space<hbm>>, %arg5: memref<2x10112xf32, #tpu.memory_space<hbm>>, %arg6: memref<10112xf32, #tpu.memory_space<vmem_shared>>, %arg7: memref<5000xi32, #tpu.memory_space<vmem>>, %arg8: memref<5000xf32, #tpu.memory_space<vmem>>) attributes {dimension_semantics = [#tpu.dimension_semantics<core_parallel>, #tpu.dimension_semantics<subcore_parallel>], iteration_bounds = array<i64: 2, 16>, scalar_prefetch = 0 : i64, scratch_operands = 3 : i64, tpu.core_type = #tpu.core_type<sc_vector_subcore>, window_params = [{transform_indices = #map}, {transform_indices = #map}, {transform_indices = #map}, {transform_indices = #map1}]} {
    %mul3A = arith.constant 16 : i32
    %mul3A_0 = arith.muli %arg0, %mul3A : i32
    %add3A = arith.addi %mul3A_0, %arg1 : i32
    %eq3A = arith.constant 0 : i32
    %eq3A_1 = arith.cmpi eq, %arg1, %eq3A : i32
    %convert_element_type3A = arith.extui %eq3A_1 : i1 to i32
    %cond3A = arith.constant 0 : i32
    %cond3A_2 = arith.cmpi ne, %convert_element_type3A, %cond3A : i32
    scf.if %cond3A_2 {
      "tpu.region"() ({
        %run_scoped3A = tpu.sem_alloc : memref<!tpu.dma_semaphore, #tpu.memory_space<semaphore_mem>>
        tpu.enqueue_dma source(%arg4 : memref<10112xf32, #tpu.memory_space<hbm>>) target(%arg6 : memref<10112xf32, #tpu.memory_space<vmem_shared>>) target_semaphore(%run_scoped3A : memref<!tpu.dma_semaphore, #tpu.memory_space<semaphore_mem>>)
        tpu.wait_dma2 semaphore(%run_scoped3A : memref<!tpu.dma_semaphore, #tpu.memory_space<semaphore_mem>>) src(%arg4 : memref<10112xf32, #tpu.memory_space<hbm>>) dst(%arg6 : memref<10112xf32, #tpu.memory_space<vmem_shared>>)
        tpu.yield
      }) : () -> ()
    } else {
    }
    %barrier3A = arith.constant 0 : index
    tpu.barrier barrier_id(%barrier3A)
    %mul3A_3 = arith.constant 5000 : i32
    %mul3A_4 = arith.muli %add3A, %mul3A_3 : i32
    "tpu.region"() ({
      %run_scoped3A = tpu.sem_alloc : memref<!tpu.dma_semaphore, #tpu.memory_space<semaphore_mem>>
      %dma_start3A = tpu.memref_slice %arg2[%mul3A_4] : memref<160000xi32, #tpu.memory_space<hbm>> -> memref<5000xi32, #tpu.memory_space<hbm>>
      %dma_start3A_11 = tpu.memref_slice %arg2[%mul3A_4] : memref<160000xi32, #tpu.memory_space<hbm>> -> memref<5000xi32, #tpu.memory_space<hbm>>
      tpu.enqueue_dma source(%dma_start3A_11 : memref<5000xi32, #tpu.memory_space<hbm>>) target(%arg7 : memref<5000xi32, #tpu.memory_space<vmem>>) target_semaphore(%run_scoped3A : memref<!tpu.dma_semaphore, #tpu.memory_space<semaphore_mem>>)
      %dma_wait3A = tpu.memref_slice %arg2[%mul3A_4] : memref<160000xi32, #tpu.memory_space<hbm>> -> memref<5000xi32, #tpu.memory_space<hbm>>
      %dma_wait3A_12 = tpu.memref_slice %arg2[%mul3A_4] : memref<160000xi32, #tpu.memory_space<hbm>> -> memref<5000xi32, #tpu.memory_space<hbm>>
      tpu.wait_dma2 semaphore(%run_scoped3A : memref<!tpu.dma_semaphore, #tpu.memory_space<semaphore_mem>>) src(%dma_wait3A_12 : memref<5000xi32, #tpu.memory_space<hbm>>) dst(%arg7 : memref<5000xi32, #tpu.memory_space<vmem>>)
      tpu.yield
    }) : () -> ()
    "tpu.region"() ({
      %run_scoped3A = tpu.sem_alloc : memref<!tpu.dma_semaphore, #tpu.memory_space<semaphore_mem>>
      tpu.enqueue_dma source(%arg3 : memref<5000xf32, #tpu.memory_space<hbm>>) target(%arg8 : memref<5000xf32, #tpu.memory_space<vmem>>) target_semaphore(%run_scoped3A : memref<!tpu.dma_semaphore, #tpu.memory_space<semaphore_mem>>)
      tpu.wait_dma2 semaphore(%run_scoped3A : memref<!tpu.dma_semaphore, #tpu.memory_space<semaphore_mem>>) src(%arg3 : memref<5000xf32, #tpu.memory_space<hbm>>) dst(%arg8 : memref<5000xf32, #tpu.memory_space<vmem>>)
      tpu.yield
    }) : () -> ()
    "tpu.region"() ({
      %run_scoped3A = tpu.sem_alloc : memref<!tpu.dma_semaphore, #tpu.memory_space<semaphore_mem>>
      %dma_start3A = arith.constant 0 : i32
      %dma_start3A_11 = tpu.memref_slice %arg6[%dma_start3A] : memref<10112xf32, #tpu.memory_space<vmem_shared>> -> memref<10112xf32, #tpu.memory_space<vmem_shared>>
      tpu.enqueue_indirect_dma source(%arg8 : memref<5000xf32, #tpu.memory_space<vmem>>) target(%dma_start3A_11 : memref<10112xf32, #tpu.memory_space<vmem_shared>>) offsets(%arg7 : memref<5000xi32, #tpu.memory_space<vmem>>) semaphore(%run_scoped3A : memref<!tpu.dma_semaphore, #tpu.memory_space<semaphore_mem>>) {add = true}
      %dma_wait3A = arith.constant 0 : i32
      %dma_wait3A_12 = tpu.memref_slice %arg6[%dma_wait3A] : memref<10112xf32, #tpu.memory_space<vmem_shared>> -> memref<10112xf32, #tpu.memory_space<vmem_shared>>
      tpu.wait_indirect_dma semaphore(%run_scoped3A : memref<!tpu.dma_semaphore, #tpu.memory_space<semaphore_mem>>) src(%arg8 : memref<5000xf32, #tpu.memory_space<vmem>>) dst(%dma_wait3A_12 : memref<10112xf32, #tpu.memory_space<vmem_shared>>)
      tpu.yield
    }) : () -> ()
    %barrier3A_5 = arith.constant 0 : index
    tpu.barrier barrier_id(%barrier3A_5)
    %eq3A_6 = arith.constant 0 : i32
    %eq3A_7 = arith.cmpi eq, %arg1, %eq3A_6 : i32
    %convert_element_type3A_8 = arith.extui %eq3A_7 : i1 to i32
    %cond3A_9 = arith.constant 0 : i32
    %cond3A_10 = arith.cmpi ne, %convert_element_type3A_8, %cond3A_9 : i32
    scf.if %cond3A_10 {
      "tpu.region"() ({
        %run_scoped3A = tpu.sem_alloc : memref<!tpu.dma_semaphore, #tpu.memory_space<semaphore_mem>>
        %dma_start3A = arith.constant 0 : i32
        %dma_start3A_11 = tpu.memref_slice %arg5[%arg0, %dma_start3A] : memref<2x10112xf32, #tpu.memory_space<hbm>> -> memref<1x10112xf32, #tpu.memory_space<hbm>>
        %dma_start3A_12 = tpu.memref_squeeze %dma_start3A_11 : memref<1x10112xf32, #tpu.memory_space<hbm>> -> memref<10112xf32, #tpu.memory_space<hbm>>
        tpu.enqueue_dma source(%arg6 : memref<10112xf32, #tpu.memory_space<vmem_shared>>) target(%dma_start3A_12 : memref<10112xf32, #tpu.memory_space<hbm>>) target_semaphore(%run_scoped3A : memref<!tpu.dma_semaphore, #tpu.memory_space<semaphore_mem>>)
        %dma_wait3A = arith.constant 0 : i32
        %dma_wait3A_13 = tpu.memref_slice %arg5[%arg0, %dma_wait3A] : memref<2x10112xf32, #tpu.memory_space<hbm>> -> memref<1x10112xf32, #tpu.memory_space<hbm>>
        %dma_wait3A_14 = tpu.memref_squeeze %dma_wait3A_13 : memref<1x10112xf32, #tpu.memory_space<hbm>> -> memref<10112xf32, #tpu.memory_space<hbm>>
        tpu.wait_dma2 semaphore(%run_scoped3A : memref<!tpu.dma_semaphore, #tpu.memory_space<semaphore_mem>>) src(%arg6 : memref<10112xf32, #tpu.memory_space<vmem_shared>>) dst(%dma_wait3A_14 : memref<10112xf32, #tpu.memory_space<hbm>>)
        tpu.yield
      }) : () -> ()
    } else {
    }
    return
  }
}

#map = affine_map<(d0, d1) -> (0)>
#map1 = affine_map<(d0, d1) -> (0, 0)>
module attributes {stable_mosaic.version = 14 : i64} {
  func.func @scal_kernel(%arg0: i32, %arg1: i32, %arg2: memref<160000xi32, #tpu.memory_space<hbm>>, %arg3: memref<160000xi32, #tpu.memory_space<hbm>>, %arg4: memref<10112xf32, #tpu.memory_space<hbm>>, %arg5: memref<10112xf32, #tpu.memory_space<hbm>>, %arg6: memref<2x10112xf32, #tpu.memory_space<hbm>>, %arg7: memref<10112xf32, #tpu.memory_space<vmem_shared>>, %arg8: memref<10112xf32, #tpu.memory_space<vmem>>, %arg9: memref<5008xi32, #tpu.memory_space<vmem>>, %arg10: memref<5000xi32, #tpu.memory_space<vmem>>, %arg11: memref<5008xf32, #tpu.memory_space<vmem>>) attributes {dimension_semantics = [#tpu.dimension_semantics<core_parallel>, #tpu.dimension_semantics<subcore_parallel>], iteration_bounds = array<i64: 2, 16>, scalar_prefetch = 0 : i64, scratch_operands = 5 : i64, tpu.core_type = #tpu.core_type<sc_vector_subcore>, window_params = [{transform_indices = #map}, {transform_indices = #map}, {transform_indices = #map}, {transform_indices = #map}, {transform_indices = #map1}]} {
    %mul3A = arith.constant 16 : i32
    %mul3A_0 = arith.muli %arg0, %mul3A : i32
    %add3A = arith.addi %mul3A_0, %arg1 : i32
    %eq3A = arith.constant 0 : i32
    %eq3A_1 = arith.cmpi eq, %arg1, %eq3A : i32
    %eq3A_2 = arith.constant 0 : i32
    %eq3A_3 = arith.cmpi eq, %arg0, %eq3A_2 : i32
    %and3A = arith.andi %eq3A_1, %eq3A_3 : i1
    %convert_element_type3A = arith.extui %and3A : i1 to i32
    %cond3A = arith.constant 0 : i32
    %cond3A_4 = arith.cmpi ne, %convert_element_type3A, %cond3A : i32
    scf.if %cond3A_4 {
      "tpu.region"() ({
        %run_scoped3A = tpu.sem_alloc : memref<!tpu.dma_semaphore, #tpu.memory_space<semaphore_mem>>
        tpu.enqueue_dma source(%arg4 : memref<10112xf32, #tpu.memory_space<hbm>>) target(%arg7 : memref<10112xf32, #tpu.memory_space<vmem_shared>>) target_semaphore(%run_scoped3A : memref<!tpu.dma_semaphore, #tpu.memory_space<semaphore_mem>>)
        tpu.wait_dma2 semaphore(%run_scoped3A : memref<!tpu.dma_semaphore, #tpu.memory_space<semaphore_mem>>) src(%arg4 : memref<10112xf32, #tpu.memory_space<hbm>>) dst(%arg7 : memref<10112xf32, #tpu.memory_space<vmem_shared>>)
        tpu.yield
      }) : () -> ()
    } else {
    }
    %eq3A_5 = arith.constant 0 : i32
    %eq3A_6 = arith.cmpi eq, %arg1, %eq3A_5 : i32
    %eq3A_7 = arith.constant 1 : i32
    %eq3A_8 = arith.cmpi eq, %arg0, %eq3A_7 : i32
    %and3A_9 = arith.andi %eq3A_6, %eq3A_8 : i1
    %convert_element_type3A_10 = arith.extui %and3A_9 : i1 to i32
    %cond3A_11 = arith.constant 0 : i32
    %cond3A_12 = arith.cmpi ne, %convert_element_type3A_10, %cond3A_11 : i32
    scf.if %cond3A_12 {
      "tpu.region"() ({
        %run_scoped3A = tpu.sem_alloc : memref<!tpu.dma_semaphore, #tpu.memory_space<semaphore_mem>>
        tpu.enqueue_dma source(%arg5 : memref<10112xf32, #tpu.memory_space<hbm>>) target(%arg7 : memref<10112xf32, #tpu.memory_space<vmem_shared>>) target_semaphore(%run_scoped3A : memref<!tpu.dma_semaphore, #tpu.memory_space<semaphore_mem>>)
        tpu.wait_dma2 semaphore(%run_scoped3A : memref<!tpu.dma_semaphore, #tpu.memory_space<semaphore_mem>>) src(%arg5 : memref<10112xf32, #tpu.memory_space<hbm>>) dst(%arg7 : memref<10112xf32, #tpu.memory_space<vmem_shared>>)
        tpu.yield
      }) : () -> ()
    } else {
    }
    %mul3A_13 = arith.constant 5000 : i32
    %mul3A_14 = arith.muli %add3A, %mul3A_13 : i32
    "tpu.region"() ({
      %run_scoped3A = tpu.sem_alloc : memref<!tpu.dma_semaphore, #tpu.memory_space<semaphore_mem>>
      %dma_start3A = arith.constant 0 : i32
      %dma_start3A_31 = tpu.memref_slice %arg9[%dma_start3A] : memref<5008xi32, #tpu.memory_space<vmem>> -> memref<5000xi32, #tpu.memory_space<vmem>>
      %dma_start3A_32 = tpu.memref_slice %arg2[%mul3A_14] : memref<160000xi32, #tpu.memory_space<hbm>> -> memref<5000xi32, #tpu.memory_space<hbm>>
      %dma_start3A_33 = arith.constant 0 : i32
      %dma_start3A_34 = tpu.memref_slice %arg9[%dma_start3A_33] : memref<5008xi32, #tpu.memory_space<vmem>> -> memref<5000xi32, #tpu.memory_space<vmem>>
      %dma_start3A_35 = tpu.memref_slice %arg2[%mul3A_14] : memref<160000xi32, #tpu.memory_space<hbm>> -> memref<5000xi32, #tpu.memory_space<hbm>>
      tpu.enqueue_dma source(%dma_start3A_35 : memref<5000xi32, #tpu.memory_space<hbm>>) target(%dma_start3A_34 : memref<5000xi32, #tpu.memory_space<vmem>>) target_semaphore(%run_scoped3A : memref<!tpu.dma_semaphore, #tpu.memory_space<semaphore_mem>>)
      %dma_wait3A = arith.constant 0 : i32
      %dma_wait3A_36 = tpu.memref_slice %arg9[%dma_wait3A] : memref<5008xi32, #tpu.memory_space<vmem>> -> memref<5000xi32, #tpu.memory_space<vmem>>
      %dma_wait3A_37 = tpu.memref_slice %arg2[%mul3A_14] : memref<160000xi32, #tpu.memory_space<hbm>> -> memref<5000xi32, #tpu.memory_space<hbm>>
      %dma_wait3A_38 = arith.constant 0 : i32
      %dma_wait3A_39 = tpu.memref_slice %arg9[%dma_wait3A_38] : memref<5008xi32, #tpu.memory_space<vmem>> -> memref<5000xi32, #tpu.memory_space<vmem>>
      %dma_wait3A_40 = tpu.memref_slice %arg2[%mul3A_14] : memref<160000xi32, #tpu.memory_space<hbm>> -> memref<5000xi32, #tpu.memory_space<hbm>>
      tpu.wait_dma2 semaphore(%run_scoped3A : memref<!tpu.dma_semaphore, #tpu.memory_space<semaphore_mem>>) src(%dma_wait3A_40 : memref<5000xi32, #tpu.memory_space<hbm>>) dst(%dma_wait3A_39 : memref<5000xi32, #tpu.memory_space<vmem>>)
      tpu.yield
    }) : () -> ()
    "tpu.region"() ({
      %run_scoped3A = tpu.sem_alloc : memref<!tpu.dma_semaphore, #tpu.memory_space<semaphore_mem>>
      %dma_start3A = tpu.memref_slice %arg3[%mul3A_14] : memref<160000xi32, #tpu.memory_space<hbm>> -> memref<5000xi32, #tpu.memory_space<hbm>>
      %dma_start3A_31 = tpu.memref_slice %arg3[%mul3A_14] : memref<160000xi32, #tpu.memory_space<hbm>> -> memref<5000xi32, #tpu.memory_space<hbm>>
      tpu.enqueue_dma source(%dma_start3A_31 : memref<5000xi32, #tpu.memory_space<hbm>>) target(%arg10 : memref<5000xi32, #tpu.memory_space<vmem>>) target_semaphore(%run_scoped3A : memref<!tpu.dma_semaphore, #tpu.memory_space<semaphore_mem>>)
      %dma_wait3A = tpu.memref_slice %arg3[%mul3A_14] : memref<160000xi32, #tpu.memory_space<hbm>> -> memref<5000xi32, #tpu.memory_space<hbm>>
      %dma_wait3A_32 = tpu.memref_slice %arg3[%mul3A_14] : memref<160000xi32, #tpu.memory_space<hbm>> -> memref<5000xi32, #tpu.memory_space<hbm>>
      tpu.wait_dma2 semaphore(%run_scoped3A : memref<!tpu.dma_semaphore, #tpu.memory_space<semaphore_mem>>) src(%dma_wait3A_32 : memref<5000xi32, #tpu.memory_space<hbm>>) dst(%arg10 : memref<5000xi32, #tpu.memory_space<vmem>>)
      tpu.yield
    }) : () -> ()
    "tpu.region"() ({
      %run_scoped3A = tpu.sem_alloc : memref<!tpu.dma_semaphore, #tpu.memory_space<semaphore_mem>>
      tpu.enqueue_dma source(%arg4 : memref<10112xf32, #tpu.memory_space<hbm>>) target(%arg8 : memref<10112xf32, #tpu.memory_space<vmem>>) target_semaphore(%run_scoped3A : memref<!tpu.dma_semaphore, #tpu.memory_space<semaphore_mem>>)
      tpu.wait_dma2 semaphore(%run_scoped3A : memref<!tpu.dma_semaphore, #tpu.memory_space<semaphore_mem>>) src(%arg4 : memref<10112xf32, #tpu.memory_space<hbm>>) dst(%arg8 : memref<10112xf32, #tpu.memory_space<vmem>>)
      tpu.yield
    }) : () -> ()
    %scan3A = arith.constant 0 : i32
    %scan3A_15 = arith.constant 0 : i32
    %scan3A_16 = arith.constant 312 : i32
    %scan3A_17 = arith.addi %scan3A_15, %scan3A_16 : i32
    %scan3A_18 = arith.constant 1 : i32
    %scan3A_19 = scf.for %scan3A_31 = %scan3A_15 to %scan3A_17 step %scan3A_18 iter_args(%scan3A_32 = %scan3A) -> (i32)  : i32 {
      %mul3A_33 = arith.constant 16 : i32
      %mul3A_34 = arith.muli %scan3A_31, %mul3A_33 : i32
      %get3A_35 = arith.index_cast %mul3A_34 : i32 to index
      %get3A_36 = tpu.vector_load %arg9[%get3A_35] {strides = array<i32>} : memref<5008xi32, #tpu.memory_space<vmem>>, vector<16xi32>,
      %gather3A_37 = tpu.vector_load_idx %arg8[%get3A_36] : memref<10112xf32, #tpu.memory_space<vmem>>[vector<16xi32>], vector<16xf32>,
      %mul3A_38 = arith.constant 16 : i32
      %mul3A_39 = arith.muli %scan3A_31, %mul3A_38 : i32
      %swap3A_40 = arith.index_cast %mul3A_39 : i32 to index
      %swap3A_41 = tpu.vector_load %arg11[%swap3A_40] {strides = array<i32>} : memref<5008xf32, #tpu.memory_space<vmem>>, vector<16xf32>,
      tpu.vector_store %arg11[%swap3A_40], %gather3A_37 {strides = array<i32>} : memref<5008xf32, #tpu.memory_space<vmem>>, vector<16xf32>,
      %scan3A_42 = arith.constant 0 : i32
      scf.yield %scan3A_42 : i32
    }
    %scan3A_20 = arith.constant 312 : i32
    %iota3A = tpu.iota {dimensions = array<i32: 0>} : vector<16xi32>
    %lt3A = arith.constant 8 : i32
    %lt3A_21 = vector.broadcast %lt3A : i32 to vector<16xi32>
    %lt3A_22 = arith.cmpi slt, %iota3A, %lt3A_21 : vector<16xi32>
    %get3A = arith.constant 4992 : index
    %get3A_23 = tpu.vector_load %arg9[%get3A] {strides = array<i32>} : memref<5008xi32, #tpu.memory_space<vmem>>, vector<16xi32>,
    %jit3A = arith.constant 0 : i32
    %broadcast_in_dim3A = vector.broadcast %jit3A : i32 to vector<16xi32>
    %select_n3A = arith.select %lt3A_22, %get3A_23, %broadcast_in_dim3A : vector<16xi1>, vector<16xi32>
    %gather3A = tpu.vector_load_idx %arg8[%select_n3A] : memref<10112xf32, #tpu.memory_space<vmem>>[vector<16xi32>], vector<16xf32>,
    %swap3A = arith.constant 4992 : index
    %swap3A_24 = tpu.vector_load %arg11[%swap3A] {strides = array<i32>} : memref<5008xf32, #tpu.memory_space<vmem>>, vector<16xf32>,
    tpu.vector_store %arg11[%swap3A], %gather3A {strides = array<i32>} : memref<5008xf32, #tpu.memory_space<vmem>>, vector<16xf32>,
    %barrier3A = arith.constant 0 : index
    tpu.barrier barrier_id(%barrier3A)
    "tpu.region"() ({
      %run_scoped3A = tpu.sem_alloc : memref<!tpu.dma_semaphore, #tpu.memory_space<semaphore_mem>>
      %dma_start3A = arith.constant 0 : i32
      %dma_start3A_31 = tpu.memref_slice %arg11[%dma_start3A] : memref<5008xf32, #tpu.memory_space<vmem>> -> memref<5000xf32, #tpu.memory_space<vmem>>
      %dma_start3A_32 = arith.constant 0 : i32
      %dma_start3A_33 = tpu.memref_slice %arg7[%dma_start3A_32] : memref<10112xf32, #tpu.memory_space<vmem_shared>> -> memref<10112xf32, #tpu.memory_space<vmem_shared>>
      tpu.enqueue_indirect_dma source(%dma_start3A_31 : memref<5000xf32, #tpu.memory_space<vmem>>) target(%dma_start3A_33 : memref<10112xf32, #tpu.memory_space<vmem_shared>>) offsets(%arg10 : memref<5000xi32, #tpu.memory_space<vmem>>) semaphore(%run_scoped3A : memref<!tpu.dma_semaphore, #tpu.memory_space<semaphore_mem>>) {add = true}
      %dma_wait3A = arith.constant 0 : i32
      %dma_wait3A_34 = tpu.memref_slice %arg11[%dma_wait3A] : memref<5008xf32, #tpu.memory_space<vmem>> -> memref<5000xf32, #tpu.memory_space<vmem>>
      %dma_wait3A_35 = arith.constant 0 : i32
      %dma_wait3A_36 = tpu.memref_slice %arg7[%dma_wait3A_35] : memref<10112xf32, #tpu.memory_space<vmem_shared>> -> memref<10112xf32, #tpu.memory_space<vmem_shared>>
      tpu.wait_indirect_dma semaphore(%run_scoped3A : memref<!tpu.dma_semaphore, #tpu.memory_space<semaphore_mem>>) src(%dma_wait3A_34 : memref<5000xf32, #tpu.memory_space<vmem>>) dst(%dma_wait3A_36 : memref<10112xf32, #tpu.memory_space<vmem_shared>>)
      tpu.yield
    }) : () -> ()
    %barrier3A_25 = arith.constant 0 : index
    tpu.barrier barrier_id(%barrier3A_25)
    %eq3A_26 = arith.constant 0 : i32
    %eq3A_27 = arith.cmpi eq, %arg1, %eq3A_26 : i32
    %convert_element_type3A_28 = arith.extui %eq3A_27 : i1 to i32
    %cond3A_29 = arith.constant 0 : i32
    %cond3A_30 = arith.cmpi ne, %convert_element_type3A_28, %cond3A_29 : i32
    scf.if %cond3A_30 {
      "tpu.region"() ({
        %run_scoped3A = tpu.sem_alloc : memref<!tpu.dma_semaphore, #tpu.memory_space<semaphore_mem>>
        %dma_start3A = arith.constant 0 : i32
        %dma_start3A_31 = tpu.memref_slice %arg6[%arg0, %dma_start3A] : memref<2x10112xf32, #tpu.memory_space<hbm>> -> memref<1x10112xf32, #tpu.memory_space<hbm>>
        %dma_start3A_32 = tpu.memref_squeeze %dma_start3A_31 : memref<1x10112xf32, #tpu.memory_space<hbm>> -> memref<10112xf32, #tpu.memory_space<hbm>>
        tpu.enqueue_dma source(%arg7 : memref<10112xf32, #tpu.memory_space<vmem_shared>>) target(%dma_start3A_32 : memref<10112xf32, #tpu.memory_space<hbm>>) target_semaphore(%run_scoped3A : memref<!tpu.dma_semaphore, #tpu.memory_space<semaphore_mem>>)
        %dma_wait3A = arith.constant 0 : i32
        %dma_wait3A_33 = tpu.memref_slice %arg6[%arg0, %dma_wait3A] : memref<2x10112xf32, #tpu.memory_space<hbm>> -> memref<1x10112xf32, #tpu.memory_space<hbm>>
        %dma_wait3A_34 = tpu.memref_squeeze %dma_wait3A_33 : memref<1x10112xf32, #tpu.memory_space<hbm>> -> memref<10112xf32, #tpu.memory_space<hbm>>
        tpu.wait_dma2 semaphore(%run_scoped3A : memref<!tpu.dma_semaphore, #tpu.memory_space<semaphore_mem>>) src(%arg7 : memref<10112xf32, #tpu.memory_space<vmem_shared>>) dst(%dma_wait3A_34 : memref<10112xf32, #tpu.memory_space<hbm>>)
        tpu.yield
      }) : () -> ()
    } else {
    }
    return
  }
}

#map = affine_map<(d0, d1) -> (0, 0, 0)>
#map1 = affine_map<(d0, d1) -> (0, 0)>
module attributes {stable_mosaic.version = 14 : i64} {
  func.func @agg_kernel(%arg0: i32, %arg1: i32, %arg2: memref<16x50x200xi32, #tpu.memory_space<hbm>>, %arg3: memref<16x50x200xi32, #tpu.memory_space<hbm>>, %arg4: memref<10000x128xf32, #tpu.memory_space<hbm>>, %arg5: memref<10000x128xf32, #tpu.memory_space<hbm>>, %arg6: memref<10000x128xf32, #tpu.memory_space<hbm>>, %arg7: memref<10000x128xf32, #tpu.memory_space<hbm>>, %arg8: memref<10000x128xf32, #tpu.memory_space<vmem_shared>>, %arg9: memref<50x200xi32, #tpu.memory_space<vmem>>, %arg10: memref<50x200xi32, #tpu.memory_space<vmem>>, %arg11: memref<200x128xf32, #tpu.memory_space<vmem>>) attributes {dimension_semantics = [#tpu.dimension_semantics<core_parallel>, #tpu.dimension_semantics<subcore_parallel>], iteration_bounds = array<i64: 2, 16>, scalar_prefetch = 0 : i64, scratch_operands = 4 : i64, tpu.core_type = #tpu.core_type<sc_vector_subcore>, window_params = [{transform_indices = #map}, {transform_indices = #map}, {transform_indices = #map1}, {transform_indices = #map1}, {transform_indices = #map1}, {transform_indices = #map1}]} {
    "tpu.region"() ({
      %run_scoped3A = tpu.sem_alloc : memref<!tpu.dma_semaphore, #tpu.memory_space<semaphore_mem>>
      %dma_start3A = arith.constant 0 : i32
      %dma_start3A_7 = arith.constant 0 : i32
      %dma_start3A_8 = tpu.memref_slice %arg2[%arg1, %dma_start3A, %dma_start3A_7] : memref<16x50x200xi32, #tpu.memory_space<hbm>> -> memref<1x50x200xi32, #tpu.memory_space<hbm>>
      %dma_start3A_9 = tpu.memref_squeeze %dma_start3A_8 : memref<1x50x200xi32, #tpu.memory_space<hbm>> -> memref<50x200xi32, #tpu.memory_space<hbm>>
      %dma_start3A_10 = arith.constant 0 : i32
      %dma_start3A_11 = arith.constant 0 : i32
      %dma_start3A_12 = tpu.memref_slice %arg2[%arg1, %dma_start3A_10, %dma_start3A_11] : memref<16x50x200xi32, #tpu.memory_space<hbm>> -> memref<1x50x200xi32, #tpu.memory_space<hbm>>
      %dma_start3A_13 = tpu.memref_squeeze %dma_start3A_12 : memref<1x50x200xi32, #tpu.memory_space<hbm>> -> memref<50x200xi32, #tpu.memory_space<hbm>>
      tpu.enqueue_dma source(%dma_start3A_13 : memref<50x200xi32, #tpu.memory_space<hbm>>) target(%arg9 : memref<50x200xi32, #tpu.memory_space<vmem>>) target_semaphore(%run_scoped3A : memref<!tpu.dma_semaphore, #tpu.memory_space<semaphore_mem>>)
      %dma_wait3A = arith.constant 0 : i32
      %dma_wait3A_14 = arith.constant 0 : i32
      %dma_wait3A_15 = tpu.memref_slice %arg2[%arg1, %dma_wait3A, %dma_wait3A_14] : memref<16x50x200xi32, #tpu.memory_space<hbm>> -> memref<1x50x200xi32, #tpu.memory_space<hbm>>
      %dma_wait3A_16 = tpu.memref_squeeze %dma_wait3A_15 : memref<1x50x200xi32, #tpu.memory_space<hbm>> -> memref<50x200xi32, #tpu.memory_space<hbm>>
      %dma_wait3A_17 = arith.constant 0 : i32
      %dma_wait3A_18 = arith.constant 0 : i32
      %dma_wait3A_19 = tpu.memref_slice %arg2[%arg1, %dma_wait3A_17, %dma_wait3A_18] : memref<16x50x200xi32, #tpu.memory_space<hbm>> -> memref<1x50x200xi32, #tpu.memory_space<hbm>>
      %dma_wait3A_20 = tpu.memref_squeeze %dma_wait3A_19 : memref<1x50x200xi32, #tpu.memory_space<hbm>> -> memref<50x200xi32, #tpu.memory_space<hbm>>
      tpu.wait_dma2 semaphore(%run_scoped3A : memref<!tpu.dma_semaphore, #tpu.memory_space<semaphore_mem>>) src(%dma_wait3A_20 : memref<50x200xi32, #tpu.memory_space<hbm>>) dst(%arg9 : memref<50x200xi32, #tpu.memory_space<vmem>>)
      tpu.yield
    }) : () -> ()
    "tpu.region"() ({
      %run_scoped3A = tpu.sem_alloc : memref<!tpu.dma_semaphore, #tpu.memory_space<semaphore_mem>>
      %dma_start3A = arith.constant 0 : i32
      %dma_start3A_7 = arith.constant 0 : i32
      %dma_start3A_8 = tpu.memref_slice %arg3[%arg1, %dma_start3A, %dma_start3A_7] : memref<16x50x200xi32, #tpu.memory_space<hbm>> -> memref<1x50x200xi32, #tpu.memory_space<hbm>>
      %dma_start3A_9 = tpu.memref_squeeze %dma_start3A_8 : memref<1x50x200xi32, #tpu.memory_space<hbm>> -> memref<50x200xi32, #tpu.memory_space<hbm>>
      %dma_start3A_10 = arith.constant 0 : i32
      %dma_start3A_11 = arith.constant 0 : i32
      %dma_start3A_12 = tpu.memref_slice %arg3[%arg1, %dma_start3A_10, %dma_start3A_11] : memref<16x50x200xi32, #tpu.memory_space<hbm>> -> memref<1x50x200xi32, #tpu.memory_space<hbm>>
      %dma_start3A_13 = tpu.memref_squeeze %dma_start3A_12 : memref<1x50x200xi32, #tpu.memory_space<hbm>> -> memref<50x200xi32, #tpu.memory_space<hbm>>
      tpu.enqueue_dma source(%dma_start3A_13 : memref<50x200xi32, #tpu.memory_space<hbm>>) target(%arg10 : memref<50x200xi32, #tpu.memory_space<vmem>>) target_semaphore(%run_scoped3A : memref<!tpu.dma_semaphore, #tpu.memory_space<semaphore_mem>>)
      %dma_wait3A = arith.constant 0 : i32
      %dma_wait3A_14 = arith.constant 0 : i32
      %dma_wait3A_15 = tpu.memref_slice %arg3[%arg1, %dma_wait3A, %dma_wait3A_14] : memref<16x50x200xi32, #tpu.memory_space<hbm>> -> memref<1x50x200xi32, #tpu.memory_space<hbm>>
      %dma_wait3A_16 = tpu.memref_squeeze %dma_wait3A_15 : memref<1x50x200xi32, #tpu.memory_space<hbm>> -> memref<50x200xi32, #tpu.memory_space<hbm>>
      %dma_wait3A_17 = arith.constant 0 : i32
      %dma_wait3A_18 = arith.constant 0 : i32
      %dma_wait3A_19 = tpu.memref_slice %arg3[%arg1, %dma_wait3A_17, %dma_wait3A_18] : memref<16x50x200xi32, #tpu.memory_space<hbm>> -> memref<1x50x200xi32, #tpu.memory_space<hbm>>
      %dma_wait3A_20 = tpu.memref_squeeze %dma_wait3A_19 : memref<1x50x200xi32, #tpu.memory_space<hbm>> -> memref<50x200xi32, #tpu.memory_space<hbm>>
      tpu.wait_dma2 semaphore(%run_scoped3A : memref<!tpu.dma_semaphore, #tpu.memory_space<semaphore_mem>>) src(%dma_wait3A_20 : memref<50x200xi32, #tpu.memory_space<hbm>>) dst(%arg10 : memref<50x200xi32, #tpu.memory_space<vmem>>)
      tpu.yield
    }) : () -> ()
    %eq3A = arith.constant 0 : i32
    %eq3A_0 = arith.cmpi eq, %arg0, %eq3A : i32
    %convert_element_type3A = arith.extui %eq3A_0 : i1 to i32
    %cond3A = arith.constant 0 : i32
    %cond3A_1 = arith.cmpi ne, %convert_element_type3A, %cond3A : i32
    scf.if %cond3A_1 {
      %mul3A = arith.constant 625 : i32
      %mul3A_7 = arith.muli %arg1, %mul3A : i32
      %mul3A_8 = arith.constant 625 : i32
      %mul3A_9 = arith.muli %arg1, %mul3A_8 : i32
      "tpu.region"() ({
        %run_scoped3A = tpu.sem_alloc : memref<!tpu.dma_semaphore, #tpu.memory_space<semaphore_mem>>
        %dma_start3A = arith.constant 0 : i32
        %dma_start3A_21 = tpu.memref_slice %arg8[%mul3A_9, %dma_start3A] : memref<10000x128xf32, #tpu.memory_space<vmem_shared>> -> memref<625x128xf32, #tpu.memory_space<vmem_shared>>
        %dma_start3A_22 = arith.constant 0 : i32
        %dma_start3A_23 = tpu.memref_slice %arg4[%mul3A_7, %dma_start3A_22] : memref<10000x128xf32, #tpu.memory_space<hbm>> -> memref<625x128xf32, #tpu.memory_space<hbm>>
        tpu.enqueue_dma source(%dma_start3A_23 : memref<625x128xf32, #tpu.memory_space<hbm>>) target(%dma_start3A_21 : memref<625x128xf32, #tpu.memory_space<vmem_shared>>) target_semaphore(%run_scoped3A : memref<!tpu.dma_semaphore, #tpu.memory_space<semaphore_mem>>)
        %dma_wait3A = arith.constant 0 : i32
        %dma_wait3A_24 = tpu.memref_slice %arg8[%mul3A_9, %dma_wait3A] : memref<10000x128xf32, #tpu.memory_space<vmem_shared>> -> memref<625x128xf32, #tpu.memory_space<vmem_shared>>
        %dma_wait3A_25 = arith.constant 0 : i32
        %dma_wait3A_26 = tpu.memref_slice %arg4[%mul3A_7, %dma_wait3A_25] : memref<10000x128xf32, #tpu.memory_space<hbm>> -> memref<625x128xf32, #tpu.memory_space<hbm>>
        tpu.wait_dma2 semaphore(%run_scoped3A : memref<!tpu.dma_semaphore, #tpu.memory_space<semaphore_mem>>) src(%dma_wait3A_26 : memref<625x128xf32, #tpu.memory_space<hbm>>) dst(%dma_wait3A_24 : memref<625x128xf32, #tpu.memory_space<vmem_shared>>)
        tpu.yield
      }) : () -> ()
      %barrier3A = arith.constant 0 : index
      tpu.barrier barrier_id(%barrier3A)
      %scan3A = arith.constant 0 : i32
      %scan3A_10 = arith.constant 0 : i32
      %scan3A_11 = arith.constant 50 : i32
      %scan3A_12 = arith.addi %scan3A_10, %scan3A_11 : i32
      %scan3A_13 = arith.constant 1 : i32
      %scan3A_14 = scf.for %scan3A_21 = %scan3A_10 to %scan3A_12 step %scan3A_13 iter_args(%scan3A_22 = %scan3A) -> (i32)  : i32 {
        "tpu.region"() ({
          %run_scoped3A = tpu.sem_alloc : memref<!tpu.dma_semaphore, #tpu.memory_space<semaphore_mem>>
          %dma_start3A = arith.constant 0 : i32
          %dma_start3A_24 = tpu.memref_slice %arg9[%scan3A_21, %dma_start3A] : memref<50x200xi32, #tpu.memory_space<vmem>> -> memref<1x200xi32, #tpu.memory_space<vmem>>
          %dma_start3A_25 = tpu.memref_squeeze %dma_start3A_24 : memref<1x200xi32, #tpu.memory_space<vmem>> -> memref<200xi32, #tpu.memory_space<vmem>>
          %dma_start3A_26 = arith.constant 0 : i32
          %dma_start3A_27 = arith.constant 0 : i32
          %dma_start3A_28 = tpu.memref_slice %arg4[%dma_start3A_26, %dma_start3A_27] : memref<10000x128xf32, #tpu.memory_space<hbm>> -> memref<10000x128xf32, #tpu.memory_space<hbm>>
          tpu.enqueue_indirect_dma source(%dma_start3A_28 : memref<10000x128xf32, #tpu.memory_space<hbm>>) target(%arg11 : memref<200x128xf32, #tpu.memory_space<vmem>>) offsets(%dma_start3A_25 : memref<200xi32, #tpu.memory_space<vmem>>) semaphore(%run_scoped3A : memref<!tpu.dma_semaphore, #tpu.memory_space<semaphore_mem>>)
          %dma_wait3A = arith.constant 0 : i32
          %dma_wait3A_29 = tpu.memref_slice %arg9[%scan3A_21, %dma_wait3A] : memref<50x200xi32, #tpu.memory_space<vmem>> -> memref<1x200xi32, #tpu.memory_space<vmem>>
          %dma_wait3A_30 = tpu.memref_squeeze %dma_wait3A_29 : memref<1x200xi32, #tpu.memory_space<vmem>> -> memref<200xi32, #tpu.memory_space<vmem>>
          %dma_wait3A_31 = arith.constant 0 : i32
          %dma_wait3A_32 = arith.constant 0 : i32
          %dma_wait3A_33 = tpu.memref_slice %arg4[%dma_wait3A_31, %dma_wait3A_32] : memref<10000x128xf32, #tpu.memory_space<hbm>> -> memref<10000x128xf32, #tpu.memory_space<hbm>>
          tpu.wait_indirect_dma semaphore(%run_scoped3A : memref<!tpu.dma_semaphore, #tpu.memory_space<semaphore_mem>>) src(%dma_wait3A_33 : memref<10000x128xf32, #tpu.memory_space<hbm>>) dst(%arg11 : memref<200x128xf32, #tpu.memory_space<vmem>>)
          tpu.yield
        }) : () -> ()
        "tpu.region"() ({
          %run_scoped3A = tpu.sem_alloc : memref<!tpu.dma_semaphore, #tpu.memory_space<semaphore_mem>>
          %dma_start3A = arith.constant 0 : i32
          %dma_start3A_24 = tpu.memref_slice %arg10[%scan3A_21, %dma_start3A] : memref<50x200xi32, #tpu.memory_space<vmem>> -> memref<1x200xi32, #tpu.memory_space<vmem>>
          %dma_start3A_25 = tpu.memref_squeeze %dma_start3A_24 : memref<1x200xi32, #tpu.memory_space<vmem>> -> memref<200xi32, #tpu.memory_space<vmem>>
          %dma_start3A_26 = arith.constant 0 : i32
          %dma_start3A_27 = arith.constant 0 : i32
          %dma_start3A_28 = tpu.memref_slice %arg8[%dma_start3A_26, %dma_start3A_27] : memref<10000x128xf32, #tpu.memory_space<vmem_shared>> -> memref<10000x128xf32, #tpu.memory_space<vmem_shared>>
          tpu.enqueue_indirect_dma source(%arg11 : memref<200x128xf32, #tpu.memory_space<vmem>>) target(%dma_start3A_28 : memref<10000x128xf32, #tpu.memory_space<vmem_shared>>) offsets(%dma_start3A_25 : memref<200xi32, #tpu.memory_space<vmem>>) semaphore(%run_scoped3A : memref<!tpu.dma_semaphore, #tpu.memory_space<semaphore_mem>>) {add = true}
          %dma_wait3A = arith.constant 0 : i32
          %dma_wait3A_29 = tpu.memref_slice %arg10[%scan3A_21, %dma_wait3A] : memref<50x200xi32, #tpu.memory_space<vmem>> -> memref<1x200xi32, #tpu.memory_space<vmem>>
          %dma_wait3A_30 = tpu.memref_squeeze %dma_wait3A_29 : memref<1x200xi32, #tpu.memory_space<vmem>> -> memref<200xi32, #tpu.memory_space<vmem>>
          %dma_wait3A_31 = arith.constant 0 : i32
          %dma_wait3A_32 = arith.constant 0 : i32
          %dma_wait3A_33 = tpu.memref_slice %arg8[%dma_wait3A_31, %dma_wait3A_32] : memref<10000x128xf32, #tpu.memory_space<vmem_shared>> -> memref<10000x128xf32, #tpu.memory_space<vmem_shared>>
          tpu.wait_indirect_dma semaphore(%run_scoped3A : memref<!tpu.dma_semaphore, #tpu.memory_space<semaphore_mem>>) src(%arg11 : memref<200x128xf32, #tpu.memory_space<vmem>>) dst(%dma_wait3A_33 : memref<10000x128xf32, #tpu.memory_space<vmem_shared>>)
          tpu.yield
        }) : () -> ()
        %scan3A_23 = arith.constant 0 : i32
        scf.yield %scan3A_23 : i32
      }
      %scan3A_15 = arith.constant 50 : i32
      %barrier3A_16 = arith.constant 0 : index
      tpu.barrier barrier_id(%barrier3A_16)
      %mul3A_17 = arith.constant 625 : i32
      %mul3A_18 = arith.muli %arg1, %mul3A_17 : i32
      %mul3A_19 = arith.constant 625 : i32
      %mul3A_20 = arith.muli %arg1, %mul3A_19 : i32
      "tpu.region"() ({
        %run_scoped3A = tpu.sem_alloc : memref<!tpu.dma_semaphore, #tpu.memory_space<semaphore_mem>>
        %dma_start3A = arith.constant 0 : i32
        %dma_start3A_21 = tpu.memref_slice %arg6[%mul3A_20, %dma_start3A] : memref<10000x128xf32, #tpu.memory_space<hbm>> -> memref<625x128xf32, #tpu.memory_space<hbm>>
        %dma_start3A_22 = arith.constant 0 : i32
        %dma_start3A_23 = tpu.memref_slice %arg8[%mul3A_18, %dma_start3A_22] : memref<10000x128xf32, #tpu.memory_space<vmem_shared>> -> memref<625x128xf32, #tpu.memory_space<vmem_shared>>
        tpu.enqueue_dma source(%dma_start3A_23 : memref<625x128xf32, #tpu.memory_space<vmem_shared>>) target(%dma_start3A_21 : memref<625x128xf32, #tpu.memory_space<hbm>>) target_semaphore(%run_scoped3A : memref<!tpu.dma_semaphore, #tpu.memory_space<semaphore_mem>>)
        %dma_wait3A = arith.constant 0 : i32
        %dma_wait3A_24 = tpu.memref_slice %arg6[%mul3A_20, %dma_wait3A] : memref<10000x128xf32, #tpu.memory_space<hbm>> -> memref<625x128xf32, #tpu.memory_space<hbm>>
        %dma_wait3A_25 = arith.constant 0 : i32
        %dma_wait3A_26 = tpu.memref_slice %arg8[%mul3A_18, %dma_wait3A_25] : memref<10000x128xf32, #tpu.memory_space<vmem_shared>> -> memref<625x128xf32, #tpu.memory_space<vmem_shared>>
        tpu.wait_dma2 semaphore(%run_scoped3A : memref<!tpu.dma_semaphore, #tpu.memory_space<semaphore_mem>>) src(%dma_wait3A_26 : memref<625x128xf32, #tpu.memory_space<vmem_shared>>) dst(%dma_wait3A_24 : memref<625x128xf32, #tpu.memory_space<hbm>>)
        tpu.yield
      }) : () -> ()
    } else {
    }
    %eq3A_2 = arith.constant 1 : i32
    %eq3A_3 = arith.cmpi eq, %arg0, %eq3A_2 : i32
    %convert_element_type3A_4 = arith.extui %eq3A_3 : i1 to i32
    %cond3A_5 = arith.constant 0 : i32
    %cond3A_6 = arith.cmpi ne, %convert_element_type3A_4, %cond3A_5 : i32
    scf.if %cond3A_6 {
      %mul3A = arith.constant 625 : i32
      %mul3A_7 = arith.muli %arg1, %mul3A : i32
      %mul3A_8 = arith.constant 625 : i32
      %mul3A_9 = arith.muli %arg1, %mul3A_8 : i32
      "tpu.region"() ({
        %run_scoped3A = tpu.sem_alloc : memref<!tpu.dma_semaphore, #tpu.memory_space<semaphore_mem>>
        %dma_start3A = arith.constant 0 : i32
        %dma_start3A_21 = tpu.memref_slice %arg8[%mul3A_9, %dma_start3A] : memref<10000x128xf32, #tpu.memory_space<vmem_shared>> -> memref<625x128xf32, #tpu.memory_space<vmem_shared>>
        %dma_start3A_22 = arith.constant 0 : i32
        %dma_start3A_23 = tpu.memref_slice %arg5[%mul3A_7, %dma_start3A_22] : memref<10000x128xf32, #tpu.memory_space<hbm>> -> memref<625x128xf32, #tpu.memory_space<hbm>>
        tpu.enqueue_dma source(%dma_start3A_23 : memref<625x128xf32, #tpu.memory_space<hbm>>) target(%dma_start3A_21 : memref<625x128xf32, #tpu.memory_space<vmem_shared>>) target_semaphore(%run_scoped3A : memref<!tpu.dma_semaphore, #tpu.memory_space<semaphore_mem>>)
        %dma_wait3A = arith.constant 0 : i32
        %dma_wait3A_24 = tpu.memref_slice %arg8[%mul3A_9, %dma_wait3A] : memref<10000x128xf32, #tpu.memory_space<vmem_shared>> -> memref<625x128xf32, #tpu.memory_space<vmem_shared>>
        %dma_wait3A_25 = arith.constant 0 : i32
        %dma_wait3A_26 = tpu.memref_slice %arg5[%mul3A_7, %dma_wait3A_25] : memref<10000x128xf32, #tpu.memory_space<hbm>> -> memref<625x128xf32, #tpu.memory_space<hbm>>
        tpu.wait_dma2 semaphore(%run_scoped3A : memref<!tpu.dma_semaphore, #tpu.memory_space<semaphore_mem>>) src(%dma_wait3A_26 : memref<625x128xf32, #tpu.memory_space<hbm>>) dst(%dma_wait3A_24 : memref<625x128xf32, #tpu.memory_space<vmem_shared>>)
        tpu.yield
      }) : () -> ()
      %barrier3A = arith.constant 0 : index
      tpu.barrier barrier_id(%barrier3A)
      %scan3A = arith.constant 0 : i32
      %scan3A_10 = arith.constant 0 : i32
      %scan3A_11 = arith.constant 50 : i32
      %scan3A_12 = arith.addi %scan3A_10, %scan3A_11 : i32
      %scan3A_13 = arith.constant 1 : i32
      %scan3A_14 = scf.for %scan3A_21 = %scan3A_10 to %scan3A_12 step %scan3A_13 iter_args(%scan3A_22 = %scan3A) -> (i32)  : i32 {
        "tpu.region"() ({
          %run_scoped3A = tpu.sem_alloc : memref<!tpu.dma_semaphore, #tpu.memory_space<semaphore_mem>>
          %dma_start3A = arith.constant 0 : i32
          %dma_start3A_24 = tpu.memref_slice %arg9[%scan3A_21, %dma_start3A] : memref<50x200xi32, #tpu.memory_space<vmem>> -> memref<1x200xi32, #tpu.memory_space<vmem>>
          %dma_start3A_25 = tpu.memref_squeeze %dma_start3A_24 : memref<1x200xi32, #tpu.memory_space<vmem>> -> memref<200xi32, #tpu.memory_space<vmem>>
          %dma_start3A_26 = arith.constant 0 : i32
          %dma_start3A_27 = arith.constant 0 : i32
          %dma_start3A_28 = tpu.memref_slice %arg5[%dma_start3A_26, %dma_start3A_27] : memref<10000x128xf32, #tpu.memory_space<hbm>> -> memref<10000x128xf32, #tpu.memory_space<hbm>>
          tpu.enqueue_indirect_dma source(%dma_start3A_28 : memref<10000x128xf32, #tpu.memory_space<hbm>>) target(%arg11 : memref<200x128xf32, #tpu.memory_space<vmem>>) offsets(%dma_start3A_25 : memref<200xi32, #tpu.memory_space<vmem>>) semaphore(%run_scoped3A : memref<!tpu.dma_semaphore, #tpu.memory_space<semaphore_mem>>)
          %dma_wait3A = arith.constant 0 : i32
          %dma_wait3A_29 = tpu.memref_slice %arg9[%scan3A_21, %dma_wait3A] : memref<50x200xi32, #tpu.memory_space<vmem>> -> memref<1x200xi32, #tpu.memory_space<vmem>>
          %dma_wait3A_30 = tpu.memref_squeeze %dma_wait3A_29 : memref<1x200xi32, #tpu.memory_space<vmem>> -> memref<200xi32, #tpu.memory_space<vmem>>
          %dma_wait3A_31 = arith.constant 0 : i32
          %dma_wait3A_32 = arith.constant 0 : i32
          %dma_wait3A_33 = tpu.memref_slice %arg5[%dma_wait3A_31, %dma_wait3A_32] : memref<10000x128xf32, #tpu.memory_space<hbm>> -> memref<10000x128xf32, #tpu.memory_space<hbm>>
          tpu.wait_indirect_dma semaphore(%run_scoped3A : memref<!tpu.dma_semaphore, #tpu.memory_space<semaphore_mem>>) src(%dma_wait3A_33 : memref<10000x128xf32, #tpu.memory_space<hbm>>) dst(%arg11 : memref<200x128xf32, #tpu.memory_space<vmem>>)
          tpu.yield
        }) : () -> ()
        "tpu.region"() ({
          %run_scoped3A = tpu.sem_alloc : memref<!tpu.dma_semaphore, #tpu.memory_space<semaphore_mem>>
          %dma_start3A = arith.constant 0 : i32
          %dma_start3A_24 = tpu.memref_slice %arg10[%scan3A_21, %dma_start3A] : memref<50x200xi32, #tpu.memory_space<vmem>> -> memref<1x200xi32, #tpu.memory_space<vmem>>
          %dma_start3A_25 = tpu.memref_squeeze %dma_start3A_24 : memref<1x200xi32, #tpu.memory_space<vmem>> -> memref<200xi32, #tpu.memory_space<vmem>>
          %dma_start3A_26 = arith.constant 0 : i32
          %dma_start3A_27 = arith.constant 0 : i32
          %dma_start3A_28 = tpu.memref_slice %arg8[%dma_start3A_26, %dma_start3A_27] : memref<10000x128xf32, #tpu.memory_space<vmem_shared>> -> memref<10000x128xf32, #tpu.memory_space<vmem_shared>>
          tpu.enqueue_indirect_dma source(%arg11 : memref<200x128xf32, #tpu.memory_space<vmem>>) target(%dma_start3A_28 : memref<10000x128xf32, #tpu.memory_space<vmem_shared>>) offsets(%dma_start3A_25 : memref<200xi32, #tpu.memory_space<vmem>>) semaphore(%run_scoped3A : memref<!tpu.dma_semaphore, #tpu.memory_space<semaphore_mem>>) {add = true}
          %dma_wait3A = arith.constant 0 : i32
          %dma_wait3A_29 = tpu.memref_slice %arg10[%scan3A_21, %dma_wait3A] : memref<50x200xi32, #tpu.memory_space<vmem>> -> memref<1x200xi32, #tpu.memory_space<vmem>>
          %dma_wait3A_30 = tpu.memref_squeeze %dma_wait3A_29 : memref<1x200xi32, #tpu.memory_space<vmem>> -> memref<200xi32, #tpu.memory_space<vmem>>
          %dma_wait3A_31 = arith.constant 0 : i32
          %dma_wait3A_32 = arith.constant 0 : i32
          %dma_wait3A_33 = tpu.memref_slice %arg8[%dma_wait3A_31, %dma_wait3A_32] : memref<10000x128xf32, #tpu.memory_space<vmem_shared>> -> memref<10000x128xf32, #tpu.memory_space<vmem_shared>>
          tpu.wait_indirect_dma semaphore(%run_scoped3A : memref<!tpu.dma_semaphore, #tpu.memory_space<semaphore_mem>>) src(%arg11 : memref<200x128xf32, #tpu.memory_space<vmem>>) dst(%dma_wait3A_33 : memref<10000x128xf32, #tpu.memory_space<vmem_shared>>)
          tpu.yield
        }) : () -> ()
        %scan3A_23 = arith.constant 0 : i32
        scf.yield %scan3A_23 : i32
      }
      %scan3A_15 = arith.constant 50 : i32
      %barrier3A_16 = arith.constant 0 : index
      tpu.barrier barrier_id(%barrier3A_16)
      %mul3A_17 = arith.constant 625 : i32
      %mul3A_18 = arith.muli %arg1, %mul3A_17 : i32
      %mul3A_19 = arith.constant 625 : i32
      %mul3A_20 = arith.muli %arg1, %mul3A_19 : i32
      "tpu.region"() ({
        %run_scoped3A = tpu.sem_alloc : memref<!tpu.dma_semaphore, #tpu.memory_space<semaphore_mem>>
        %dma_start3A = arith.constant 0 : i32
        %dma_start3A_21 = tpu.memref_slice %arg7[%mul3A_20, %dma_start3A] : memref<10000x128xf32, #tpu.memory_space<hbm>> -> memref<625x128xf32, #tpu.memory_space<hbm>>
        %dma_start3A_22 = arith.constant 0 : i32
        %dma_start3A_23 = tpu.memref_slice %arg8[%mul3A_18, %dma_start3A_22] : memref<10000x128xf32, #tpu.memory_space<vmem_shared>> -> memref<625x128xf32, #tpu.memory_space<vmem_shared>>
        tpu.enqueue_dma source(%dma_start3A_23 : memref<625x128xf32, #tpu.memory_space<vmem_shared>>) target(%dma_start3A_21 : memref<625x128xf32, #tpu.memory_space<hbm>>) target_semaphore(%run_scoped3A : memref<!tpu.dma_semaphore, #tpu.memory_space<semaphore_mem>>)
        %dma_wait3A = arith.constant 0 : i32
        %dma_wait3A_24 = tpu.memref_slice %arg7[%mul3A_20, %dma_wait3A] : memref<10000x128xf32, #tpu.memory_space<hbm>> -> memref<625x128xf32, #tpu.memory_space<hbm>>
        %dma_wait3A_25 = arith.constant 0 : i32
        %dma_wait3A_26 = tpu.memref_slice %arg8[%mul3A_18, %dma_wait3A_25] : memref<10000x128xf32, #tpu.memory_space<vmem_shared>> -> memref<625x128xf32, #tpu.memory_space<vmem_shared>>
        tpu.wait_dma2 semaphore(%run_scoped3A : memref<!tpu.dma_semaphore, #tpu.memory_space<semaphore_mem>>) src(%dma_wait3A_26 : memref<625x128xf32, #tpu.memory_space<vmem_shared>>) dst(%dma_wait3A_24 : memref<625x128xf32, #tpu.memory_space<hbm>>)
        tpu.yield
      }) : () -> ()
    } else {
    }
    return
  }
}

module attributes {stable_mosaic.version = 14 : i64} {
  func.func @_dense1_body(%arg0: i32, %arg1: memref<1000x256xf32, #tpu.memory_space<vmem>>, %arg2: memref<256x256xf32, #tpu.memory_space<vmem>>, %arg3: memref<1x2x1000xf32, #tpu.memory_space<vmem>>, %arg4: memref<1000x128xf32, #tpu.memory_space<vmem>>, %arg5: memref<1000x128xf32, #tpu.memory_space<vmem>>, %arg6: memref<1x1x1000xf32, #tpu.memory_space<vmem>>) attributes {dimension_semantics = [#tpu.dimension_semantics<arbitrary>], iteration_bounds = array<i64: 10>, scalar_prefetch = 0 : i64, scratch_operands = 0 : i64, tpu.core_type = #tpu.core_type<tc>, window_params = [{transform_indices = @transform_0, window_bounds = array<i64: 1000, 256>}, {pipeline_mode = #tpu.pipeline_mode<synchronous>, transform_indices = @transform_1, window_bounds = array<i64: 256, 256>}, {transform_indices = @transform_2, window_bounds = array<i64: 1, 2, 1000>}, {transform_indices = @transform_3, window_bounds = array<i64: 1000, 128>}, {transform_indices = @transform_4, window_bounds = array<i64: 1000, 128>}, {transform_indices = @transform_5, window_bounds = array<i64: 1, 1, 1000>}]} {
    %get3A = arith.constant 0 : index
    %get3A_0 = arith.constant 0 : index
    %get3A_1 = arith.constant 0 : index
    %get3A_2 = vector.load %arg3[%get3A, %get3A_0, %get3A_1] : memref<1x2x1000xf32, #tpu.memory_space<vmem>>, vector<1x2x1000xf32>
    %get3A_3 = vector.shape_cast %get3A_2 : vector<1x2x1000xf32> to vector<2x1000xf32>
    %slice3A = vector.extract_strided_slice %get3A_3 {offsets = [0, 0], sizes = [1, 1000], strides = [1, 1]} : vector<2x1000xf32> to vector<1x1000xf32>
    %squeeze3A = vector.shape_cast %slice3A : vector<1x1000xf32> to vector<1000xf32>
    %add3A = arith.constant 1.000000e+00 : f32
    %add3A_4 = vector.broadcast %add3A : f32 to vector<1000xf32>
    %add3A_5 = arith.addf %add3A_4, %squeeze3A : vector<1000xf32>
    %slice3A_6 = vector.extract_strided_slice %get3A_3 {offsets = [1, 0], sizes = [1, 1000], strides = [1, 1]} : vector<2x1000xf32> to vector<1x1000xf32>
    %squeeze3A_7 = vector.shape_cast %slice3A_6 : vector<1x1000xf32> to vector<1000xf32>
    %add3A_8 = arith.addf %add3A_5, %squeeze3A_7 : vector<1000xf32>
    %rsqrt3A = math.rsqrt %add3A_8 : vector<1000xf32>
    %get3A_9 = arith.constant 0 : index
    %get3A_10 = arith.constant 0 : index
    %get3A_11 = vector.load %arg1[%get3A_9, %get3A_10] : memref<1000x256xf32, #tpu.memory_space<vmem>>, vector<1000x256xf32>
    %get3A_12 = arith.constant 0 : index
    %get3A_13 = arith.constant 0 : index
    %get3A_14 = vector.load %arg2[%get3A_12, %get3A_13] : memref<256x256xf32, #tpu.memory_space<vmem>>, vector<256x256xf32>
    %dot_general3A = arith.constant dense<0.000000e+00> : vector<1000x256xf32>
    %dot_general3A_15 = tpu.matmul %get3A_11, %get3A_14, %dot_general3A {dimension_numbers = #tpu.dot_dimension_numbers<[1], [0], [0], [1], [0, 0, 1, 1], [], []>, transpose_lhs_hint = false} : vector<1000x256xf32>, vector<256x256xf32>, vector<1000x256xf32> -> vector<1000x256xf32>
    %broadcast_in_dim3A = vector.shape_cast %rsqrt3A : vector<1000xf32> to vector<1000x1xf32>
    %mul3A = vector.broadcast %broadcast_in_dim3A : vector<1000x1xf32> to vector<1000x256xf32>
    %mul3A_16 = arith.mulf %dot_general3A_15, %mul3A : vector<1000x256xf32>
    %slice3A_17 = vector.extract_strided_slice %mul3A_16 {offsets = [0, 0], sizes = [1000, 128], strides = [1, 1]} : vector<1000x256xf32> to vector<1000x128xf32>
    %swap3A = arith.constant 0 : index
    %swap3A_18 = arith.constant 0 : index
    %swap3A_19 = vector.load %arg4[%swap3A, %swap3A_18] : memref<1000x128xf32, #tpu.memory_space<vmem>>, vector<1000x128xf32>
    tpu.vector_store %arg4[%swap3A, %swap3A_18], %slice3A_17 {strides = array<i32>} : memref<1000x128xf32, #tpu.memory_space<vmem>>, vector<1000x128xf32>,
    %slice3A_20 = vector.extract_strided_slice %mul3A_16 {offsets = [0, 128], sizes = [1000, 128], strides = [1, 1]} : vector<1000x256xf32> to vector<1000x128xf32>
    %swap3A_21 = arith.constant 0 : index
    %swap3A_22 = arith.constant 0 : index
    %swap3A_23 = vector.load %arg5[%swap3A_21, %swap3A_22] : memref<1000x128xf32, #tpu.memory_space<vmem>>, vector<1000x128xf32>
    tpu.vector_store %arg5[%swap3A_21, %swap3A_22], %slice3A_20 {strides = array<i32>} : memref<1000x128xf32, #tpu.memory_space<vmem>>, vector<1000x128xf32>,
    %swap3A_24 = arith.constant 0 : index
    %swap3A_25 = arith.constant 0 : index
    %swap3A_26 = arith.constant 0 : index
    %swap3A_27 = vector.load %arg6[%swap3A_24, %swap3A_25, %swap3A_26] : memref<1x1x1000xf32, #tpu.memory_space<vmem>>, vector<1x1x1000xf32>
    %swap3A_28 = vector.shape_cast %swap3A_27 : vector<1x1x1000xf32> to vector<1000xf32>
    %swap3A_29 = vector.shape_cast %rsqrt3A : vector<1000xf32> to vector<1x1x1000xf32>
    tpu.vector_store %arg6[%swap3A_24, %swap3A_25, %swap3A_26], %swap3A_29 {strides = array<i32>} : memref<1x1x1000xf32, #tpu.memory_space<vmem>>, vector<1x1x1000xf32>,
    return
  }
  func.func @transform_0(%arg0: i32) -> (i32, i32) {
    %c0_i32 = arith.constant 0 : i32
    %c0_i32_0 = arith.constant 0 : i32
    return %arg0, %c0_i32 : i32, i32
  }
  func.func @transform_1(%arg0: i32) -> (i32, i32) {
    %c0_i32 = arith.constant 0 : i32
    %c0_i32_0 = arith.constant 0 : i32
    %c0_i32_1 = arith.constant 0 : i32
    return %c0_i32, %c0_i32_0 : i32, i32
  }
  func.func @transform_2(%arg0: i32) -> (i32, i32, i32) {
    %c0_i32 = arith.constant 0 : i32
    %c0_i32_0 = arith.constant 0 : i32
    %c0_i32_1 = arith.constant 0 : i32
    return %arg0, %c0_i32, %c0_i32_0 : i32, i32, i32
  }
  func.func @transform_3(%arg0: i32) -> (i32, i32) {
    %c0_i32 = arith.constant 0 : i32
    %c0_i32_0 = arith.constant 0 : i32
    return %arg0, %c0_i32 : i32, i32
  }
  func.func @transform_4(%arg0: i32) -> (i32, i32) {
    %c0_i32 = arith.constant 0 : i32
    %c0_i32_0 = arith.constant 0 : i32
    return %arg0, %c0_i32 : i32, i32
  }
  func.func @transform_5(%arg0: i32) -> (i32, i32, i32) {
    %c0_i32 = arith.constant 0 : i32
    %c0_i32_0 = arith.constant 0 : i32
    %c0_i32_1 = arith.constant 0 : i32
    return %arg0, %c0_i32, %c0_i32_0 : i32, i32, i32
  }
}

module attributes {stable_mosaic.version = 14 : i64} {
  func.func @_dense2_body(%arg0: i32, %arg1: memref<1000x128xf32, #tpu.memory_space<vmem>>, %arg2: memref<1000x128xf32, #tpu.memory_space<vmem>>, %arg3: memref<1x1x1000xf32, #tpu.memory_space<vmem>>, %arg4: memref<256xf32, #tpu.memory_space<vmem>>, %arg5: memref<256x1xf32, #tpu.memory_space<vmem>>, %arg6: memref<1x1x1000xf32, #tpu.memory_space<vmem>>) attributes {dimension_semantics = [#tpu.dimension_semantics<arbitrary>], iteration_bounds = array<i64: 10>, scalar_prefetch = 0 : i64, scratch_operands = 0 : i64, tpu.core_type = #tpu.core_type<tc>, window_params = [{transform_indices = @transform_0, window_bounds = array<i64: 1000, 128>}, {transform_indices = @transform_1, window_bounds = array<i64: 1000, 128>}, {transform_indices = @transform_2, window_bounds = array<i64: 1, 1, 1000>}, {pipeline_mode = #tpu.pipeline_mode<synchronous>, transform_indices = @transform_3, window_bounds = array<i64: 256>}, {pipeline_mode = #tpu.pipeline_mode<synchronous>, transform_indices = @transform_4, window_bounds = array<i64: 256, 1>}, {transform_indices = @transform_5, window_bounds = array<i64: 1, 1, 1000>}]} {
    %get3A = arith.constant 0 : index
    %get3A_0 = arith.constant 0 : index
    %get3A_1 = arith.constant 0 : index
    %get3A_2 = vector.load %arg3[%get3A, %get3A_0, %get3A_1] : memref<1x1x1000xf32, #tpu.memory_space<vmem>>, vector<1x1x1000xf32>
    %get3A_3 = vector.shape_cast %get3A_2 : vector<1x1x1000xf32> to vector<1000xf32>
    %get3A_4 = arith.constant 0 : index
    %get3A_5 = vector.load %arg4[%get3A_4] : memref<256xf32, #tpu.memory_space<vmem>>, vector<256xf32>
    %get3A_6 = arith.constant 0 : index
    %get3A_7 = arith.constant 0 : index
    %get3A_8 = vector.load %arg5[%get3A_6, %get3A_7] : memref<256x1xf32, #tpu.memory_space<vmem>>, vector<256x1xf32>
    %get3A_9 = arith.constant 0 : index
    %get3A_10 = arith.constant 0 : index
    %get3A_11 = vector.load %arg1[%get3A_9, %get3A_10] : memref<1000x128xf32, #tpu.memory_space<vmem>>, vector<1000x128xf32>
    %broadcast_in_dim3A = vector.shape_cast %get3A_3 : vector<1000xf32> to vector<1000x1xf32>
    %mul3A = vector.broadcast %broadcast_in_dim3A : vector<1000x1xf32> to vector<1000x128xf32>
    %mul3A_12 = arith.mulf %get3A_11, %mul3A : vector<1000x128xf32>
    %slice3A = vector.extract_strided_slice %get3A_5 {offsets = [0], sizes = [128], strides = [1]} : vector<256xf32> to vector<128xf32>
    %broadcast_in_dim3A_13 = vector.shape_cast %slice3A : vector<128xf32> to vector<1x128xf32>
    %add3A = vector.broadcast %broadcast_in_dim3A_13 : vector<1x128xf32> to vector<1000x128xf32>
    %add3A_14 = arith.addf %mul3A_12, %add3A : vector<1000x128xf32>
    %max3A = arith.constant 0.000000e+00 : f32
    %max3A_15 = vector.broadcast %max3A : f32 to vector<1000x128xf32>
    %max3A_16 = arith.maximumf %add3A_14, %max3A_15 : vector<1000x128xf32>
    %get3A_17 = arith.constant 0 : index
    %get3A_18 = arith.constant 0 : index
    %get3A_19 = vector.load %arg2[%get3A_17, %get3A_18] : memref<1000x128xf32, #tpu.memory_space<vmem>>, vector<1000x128xf32>
    %broadcast_in_dim3A_20 = vector.shape_cast %get3A_3 : vector<1000xf32> to vector<1000x1xf32>
    %mul3A_21 = vector.broadcast %broadcast_in_dim3A_20 : vector<1000x1xf32> to vector<1000x128xf32>
    %mul3A_22 = arith.mulf %get3A_19, %mul3A_21 : vector<1000x128xf32>
    %slice3A_23 = vector.extract_strided_slice %get3A_5 {offsets = [128], sizes = [128], strides = [1]} : vector<256xf32> to vector<128xf32>
    %broadcast_in_dim3A_24 = vector.shape_cast %slice3A_23 : vector<128xf32> to vector<1x128xf32>
    %add3A_25 = vector.broadcast %broadcast_in_dim3A_24 : vector<1x128xf32> to vector<1000x128xf32>
    %add3A_26 = arith.addf %mul3A_22, %add3A_25 : vector<1000x128xf32>
    %max3A_27 = arith.constant 0.000000e+00 : f32
    %max3A_28 = vector.broadcast %max3A_27 : f32 to vector<1000x128xf32>
    %max3A_29 = arith.maximumf %add3A_26, %max3A_28 : vector<1000x128xf32>
    %slice3A_30 = vector.extract_strided_slice %get3A_8 {offsets = [0, 0], sizes = [128, 1], strides = [1, 1]} : vector<256x1xf32> to vector<128x1xf32>
    %dot_general3A = arith.constant dense<0.000000e+00> : vector<1000x1xf32>
    %dot_general3A_31 = tpu.matmul %max3A_16, %slice3A_30, %dot_general3A {dimension_numbers = #tpu.dot_dimension_numbers<[1], [0], [0], [1], [0, 0, 1, 1], [], []>, transpose_lhs_hint = false} : vector<1000x128xf32>, vector<128x1xf32>, vector<1000x1xf32> -> vector<1000x1xf32>
    %slice3A_32 = vector.extract_strided_slice %get3A_8 {offsets = [128, 0], sizes = [128, 1], strides = [1, 1]} : vector<256x1xf32> to vector<128x1xf32>
    %dot_general3A_33 = arith.constant dense<0.000000e+00> : vector<1000x1xf32>
    %dot_general3A_34 = tpu.matmul %max3A_29, %slice3A_32, %dot_general3A_33 {dimension_numbers = #tpu.dot_dimension_numbers<[1], [0], [0], [1], [0, 0, 1, 1], [], []>, transpose_lhs_hint = false} : vector<1000x128xf32>, vector<128x1xf32>, vector<1000x1xf32> -> vector<1000x1xf32>
    %add3A_35 = arith.addf %dot_general3A_31, %dot_general3A_34 : vector<1000x1xf32>
    %squeeze3A = vector.shape_cast %add3A_35 : vector<1000x1xf32> to vector<1000xf32>
    %mul3A_36 = arith.mulf %squeeze3A, %get3A_3 : vector<1000xf32>
    %swap3A = arith.constant 0 : index
    %swap3A_37 = arith.constant 0 : index
    %swap3A_38 = arith.constant 0 : index
    %swap3A_39 = vector.load %arg6[%swap3A, %swap3A_37, %swap3A_38] : memref<1x1x1000xf32, #tpu.memory_space<vmem>>, vector<1x1x1000xf32>
    %swap3A_40 = vector.shape_cast %swap3A_39 : vector<1x1x1000xf32> to vector<1000xf32>
    %swap3A_41 = vector.shape_cast %mul3A_36 : vector<1000xf32> to vector<1x1x1000xf32>
    tpu.vector_store %arg6[%swap3A, %swap3A_37, %swap3A_38], %swap3A_41 {strides = array<i32>} : memref<1x1x1000xf32, #tpu.memory_space<vmem>>, vector<1x1x1000xf32>,
    return
  }
  func.func @transform_0(%arg0: i32) -> (i32, i32) {
    %c0_i32 = arith.constant 0 : i32
    %c0_i32_0 = arith.constant 0 : i32
    return %arg0, %c0_i32 : i32, i32
  }
  func.func @transform_1(%arg0: i32) -> (i32, i32) {
    %c0_i32 = arith.constant 0 : i32
    %c0_i32_0 = arith.constant 0 : i32
    return %arg0, %c0_i32 : i32, i32
  }
  func.func @transform_2(%arg0: i32) -> (i32, i32, i32) {
    %c0_i32 = arith.constant 0 : i32
    %c0_i32_0 = arith.constant 0 : i32
    %c0_i32_1 = arith.constant 0 : i32
    return %arg0, %c0_i32, %c0_i32_0 : i32, i32, i32
  }
  func.func @transform_3(%arg0: i32) -> i32 {
    %c0_i32 = arith.constant 0 : i32
    %c0_i32_0 = arith.constant 0 : i32
    return %c0_i32 : i32
  }
  func.func @transform_4(%arg0: i32) -> (i32, i32) {
    %c0_i32 = arith.constant 0 : i32
    %c0_i32_0 = arith.constant 0 : i32
    %c0_i32_1 = arith.constant 0 : i32
    return %c0_i32, %c0_i32_0 : i32, i32
  }
  func.func @transform_5(%arg0: i32) -> (i32, i32, i32) {
    %c0_i32 = arith.constant 0 : i32
    %c0_i32_0 = arith.constant 0 : i32
    %c0_i32_1 = arith.constant 0 : i32
    return %arg0, %c0_i32, %c0_i32_0 : i32, i32, i32
  }
}

module attributes {stable_mosaic.version = 14 : i64} {
  func.func @_final_body(%arg0: memref<2x10000xf32, #tpu.memory_space<vmem>>, %arg1: memref<10000xf32, #tpu.memory_space<vmem>>, %arg2: memref<1xf32, #tpu.memory_space<vmem>>, %arg3: memref<10000xf32, #tpu.memory_space<vmem>>) attributes {dimension_semantics = [], scalar_prefetch = 0 : i64, scratch_operands = 0 : i64, tpu.core_type = #tpu.core_type<tc>} {
    %get3A = arith.constant 0 : index
    %get3A_0 = arith.constant 0 : index
    %get3A_1 = vector.load %arg0[%get3A, %get3A_0] : memref<2x10000xf32, #tpu.memory_space<vmem>>, vector<2x10000xf32>
    %get3A_2 = arith.constant 0 : index
    %get3A_3 = vector.load %arg1[%get3A_2] : memref<10000xf32, #tpu.memory_space<vmem>>, vector<10000xf32>
    %slice3A = vector.extract_strided_slice %get3A_1 {offsets = [0, 0], sizes = [1, 10000], strides = [1, 1]} : vector<2x10000xf32> to vector<1x10000xf32>
    %squeeze3A = vector.shape_cast %slice3A : vector<1x10000xf32> to vector<10000xf32>
    %slice3A_4 = vector.extract_strided_slice %get3A_1 {offsets = [1, 0], sizes = [1, 10000], strides = [1, 1]} : vector<2x10000xf32> to vector<1x10000xf32>
    %squeeze3A_5 = vector.shape_cast %slice3A_4 : vector<1x10000xf32> to vector<10000xf32>
    %add3A = arith.addf %squeeze3A, %squeeze3A_5 : vector<10000xf32>
    %mul3A = arith.mulf %get3A_3, %add3A : vector<10000xf32>
    %get3A_6 = arith.constant 0 : index
    %get3A_7 = vector.load %arg2[%get3A_6] : memref<1xf32, #tpu.memory_space<vmem>>, vector<1xf32>
    %get3A_8 = vector.extract %get3A_7[0] : f32 from vector<1xf32>
    %add3A_9 = vector.broadcast %get3A_8 : f32 to vector<10000xf32>
    %add3A_10 = arith.addf %mul3A, %add3A_9 : vector<10000xf32>
    %swap3A = arith.constant 0 : index
    %swap3A_11 = vector.load %arg3[%swap3A] : memref<10000xf32, #tpu.memory_space<vmem>>, vector<10000xf32>
    tpu.vector_store %arg3[%swap3A], %add3A_10 {strides = array<i32>} : memref<10000xf32, #tpu.memory_space<vmem>>, vector<10000xf32>,
    return
  }
}

</mosaic_0001>

<sc_bundles>
// kernel: kernel.11.cloned.1.call-start
scs
__scs_entry_jumppad:
0x0: {  	(pc) =	sbr.rel $0x88, $3  }
0x1: {  	(tag) =	ssettag $0x0;
	lr =	simm.s32 $0x1  }
0x2: {  	[smem:$0x3F9B] =	sst lr;
	_ =	strace $0xD0000000  }
0x3: {  	_ = 	snop  }
0x4: {  	_ = 	snop  }
0x5: {  	_ = 	snop  }
0x6: {  	_ = 	snop  }
0x7: {  	_ = 	snop  }
__scs_overlays_trampoline_lowered:
0x8: {  	[smem:$0x3FAA] =	sst s0  }
0x9: {  	[smem:$0x3FAB] =	sst s1  }
0xa: {  	[smem:$0x3FAC] =	sst s2  }
0xb: {  	[smem:$0x3FAD] =	sst s3  }
0xc: {  	[smem:$0x3FAE] =	sst s4  }
0xd: {  	[smem:$0x3FAF] =	sst s5  }
0xe: {  	[smem:$0x3FB0] =	sst s6  }
0xf: {  	[smem:$0x3FB1] =	sst s7  }
0x10: {  	[smem:$0x3FB2] =	sst s8  }
0x11: {  	[smem:$0x3FB3] =	sst s9;
	s0 =	simm.s32 @!p0 $0x0  }
0x12: {  	s1 =	sld [smem:$0x3F99];
	s0 =	simm.s32 @p0 $0x1  }
0x13: {  	[smem:$0x3FB4] =	sst s0;
	s0 =	simm.s32 @!p1 $0x0  }
0x14: {  	s2 =	sld [smem:$0x3F98];
	s0 =	simm.s32 @p1 $0x1  }
0x15: {  	[smem:$0x3FB5] =	sst s0;
	s0 =	simm.s32 @!p2 $0x0  }
0x16: {  	s3 =	sld [smem:$0x3FDB];
	s0 =	simm.s32 @p2 $0x1  }
0x17: {  	s4 =	simm.s32 $0x1BF5;
	[smem:$0x3FB7] =	sst s0  }
0x18: {  	s0 =	sld [smem:$0x3F9A];
	_ =	swait.ge [sflag:s4], $0x0  }
0x19: {  	s7 =	sld [smem:$0x3F9B]  }
0x1a: {  	s8 =	sadd.s32 $0xFFFFE003, lr  }
0x1b: {  	s9 =	sadd.s32 $0xFFFFFEF7, lr;
	s5 =	simm.s32 $0xFFFFFFFF;
	p2 =	slt.u32 s8, $0xFFFFF086  }
0x1c: {  	p1 =	slt.u32 s9, $0xF7A;
	s5 =	simm.s32 @!p2 $0x0  }
0x1d: {  	s5 =	simm.s32 @p1 $0x1;
	p0 =	seq.s32 s7, s2  }
0x1e: {  	s7 =	smul.u32 @!p0 $0xF7A, s2;
	p2 =	seq.s32 @!p0 s5, $0x0  }
0x1f: {  	s9 =	smul.u32 $0xF7A, s1;
	s8 =	simm.s32 @!p0 $0x1BF5;
	p2 =	por !p2, p0  }
0x20: {  	[sflag:s8] =	ssyncset.s32 @!p0 $0xFFFFF086;
	s6 =	sadd.s32 @!p0 s3, s7;
	s7 =	simm.s32 @!p0 $0x108  }
0x21: {  	s3 =	sadd.s32 s3, s9;
	s6 =	sadd.s32 @!p0 $0x88, s6;
	s7 =	simm.s32 @p2 $0x1082  }
0x22: {  	[simem:s7], [sflag:s8] =	dma.local @!p0 [hbm:s6], $0xF7A  }
0x23: {  	s9 =	sor.u32 $0xD0000000, s2;
	s6 =	simm.s32 $0x108;
	_ =	swait.ge @!p0 [sflag:s8], $0x0  }
0x24: {  	s3 =	sadd.s32 $0x88, s3;
	s6 =	simm.s32 @!p1 $0x1082;
	[sflag:s4] =	ssyncset.s32 $0xFFFFF086  }
0x25: {  	[simem:s6], [sflag:s4] =	dma.local [hbm:s3], $0xF7A  }
0x26: {  	[smem:$0x3F9B] =	sst s1;
	(tag) =	ssettag s2;
	_ =	strace s9  }
0x27: {  	s1 =	sld [smem:$0x3FAB]  }
0x28: {  	s2 =	sld [smem:$0x3FAC]  }
0x29: {  	s4 =	sld [smem:$0x3FAE]  }
0x2a: {  	p0 =	seq.s32 s5, $0x0;
	s5 =	sld [smem:$0x3FAF]  }
0x2b: {  	s6 =	sld [smem:$0x3FB0]  }
0x2c: {  	s7 =	sld [smem:$0x3FB1]  }
0x2d: {  	s3 =	simm.s32 $0x108;
	s8 =	sld [smem:$0x3FB2]  }
0x2e: {  	s3 =	simm.s32 @!p0 $0x1082;
	s9 =	sld [smem:$0x3FB3]  }
0x2f: {  	lr =	sadd.s32 s0, s3;
	s0 =	sld [smem:$0x3FAA]  }
0x30: {  	s3 =	sld [smem:$0x3FAD]  }
0x31: {  	[smem:$0x3FB6] =	sst s10  }
0x32: {  	s10 =	sld [smem:$0x3FB4];
	_ =	sdelay $0x3  }
0x33: {  	p0 =	seq.s32 s10, $0x1;
	s10 =	sld [smem:$0x3FB6];
	_ =	sdelay $0x3  }
0x34: {  	[smem:$0x3FB6] =	sst s10  }
0x35: {  	s10 =	sld [smem:$0x3FB5];
	_ =	sdelay $0x3  }
0x36: {  	p1 =	seq.s32 s10, $0x1;
	s10 =	sld [smem:$0x3FB6];
	_ =	sdelay $0x3  }
0x37: {  	[smem:$0x3FB6] =	sst s10  }
0x38: {  	s10 =	sld [smem:$0x3FB7]  }
0x39: {  	_ = 	snop;
	(pc) =	sbr.ind lr, $3  }
0x3a: {  	_ = 	snop  }
0x3b: {  	_ = 	snop  }
0x3c: {  	p2 =	seq.s32 s10, $0x1;
	s10 =	sld [smem:$0x3FB6]  }
0x3d: {  	_ =	shalt  }
0x3e: {  	_ =	shalt  }
0x3f: {  	_ =	shalt  }
0x40: {  	_ =	shalt  }
0x41: {  	_ =	shalt  }
0x42: {  	_ =	shalt  }
0x43: {  	_ =	shalt  }
0x44: {  	_ =	shalt  }
0x45: {  	_ =	shalt  }
0x46: {  	_ =	shalt  }
0x47: {  	_ =	shalt  }
0x48: {  	_ =	shalt  }
0x49: {  	_ =	shalt  }
0x4a: {  	_ =	shalt  }
0x4b: {  	_ =	shalt  }
0x4c: {  	_ =	shalt  }
0x4d: {  	_ =	shalt  }
0x4e: {  	_ =	shalt  }
0x4f: {  	_ =	shalt  }
0x50: {  	_ =	shalt  }
0x51: {  	_ =	shalt  }
0x52: {  	_ =	shalt  }
0x53: {  	_ =	shalt  }
0x54: {  	_ =	shalt  }
0x55: {  	_ =	shalt  }
0x56: {  	_ =	shalt  }
0x57: {  	_ =	shalt  }
0x58: {  	_ =	shalt  }
0x59: {  	_ =	shalt  }
0x5a: {  	_ =	shalt  }
0x5b: {  	_ =	shalt  }
0x5c: {  	_ =	shalt  }
0x5d: {  	_ =	shalt  }
0x5e: {  	_ =	shalt  }
0x5f: {  	_ =	shalt  }
0x60: {  	_ =	shalt  }
0x61: {  	_ =	shalt  }
0x62: {  	_ =	shalt  }
0x63: {  	_ =	shalt  }
0x64: {  	_ =	shalt  }
0x65: {  	_ =	shalt  }
0x66: {  	_ =	shalt  }
0x67: {  	_ =	shalt  }
0x68: {  	_ =	shalt  }
0x69: {  	_ =	shalt  }
0x6a: {  	_ =	shalt  }
0x6b: {  	_ =	shalt  }
0x6c: {  	_ =	shalt  }
0x6d: {  	_ =	shalt  }
0x6e: {  	_ =	shalt  }
0x6f: {  	_ =	shalt  }
0x70: {  	_ =	shalt  }
0x71: {  	_ =	shalt  }
0x72: {  	_ =	shalt  }
0x73: {  	_ =	shalt  }
0x74: {  	_ =	shalt  }
0x75: {  	_ =	shalt  }
0x76: {  	_ =	shalt  }
0x77: {  	_ =	shalt  }
0x78: {  	_ =	shalt  }
0x79: {  	_ =	shalt  }
0x7a: {  	_ =	shalt  }
0x7b: {  	_ =	shalt  }
0x7c: {  	_ =	shalt  }
0x7d: {  	_ =	shalt  }
0x7e: {  	_ =	shalt  }
0x7f: {  	_ =	shalt  }
0x80: {  	_ =	shalt  }
0x81: {  	_ =	shalt  }
0x82: {  	_ =	shalt  }
0x83: {  	_ =	shalt  }
0x84: {  	_ =	shalt  }
0x85: {  	_ =	shalt  }
0x86: {  	_ =	shalt  }
0x87: {  	_ =	shalt  }
.Lfunc_end0:
.L_simem_size_0:
called_computation.1_lowered:
.L_overlay_start_0:
0x88: {  	s2 =	sld [smem:$0x3FD9]  }
0x89: {  	s3 =	sld [smem:$0x3FFE];
	_ =	sdelay $0x1  }
0x8a: {  	s1 =	srdreg.scid  }
0x8b: {  	s0 =	sand.u32 $0x1, s1  }
0x8c: {  	s16 =	sshll.u32 s0, $0xA;
	s2 =	sadd.s32 s3, s2  }
0x8d: {  	s2 =	sadd.s32 s2, s16  }
0x8e: {  	[smem:$0x3FC2] =	sst s2  }
0x8f: {  	_ = 	snop  }
0x90: {  	(tm) =	ssettm $0x1  }
0x91: {  	s17 =	sld [smem:$0x3FFB];
	_ =	sdelay $0x3  }
0x92: {  	_ =	strace s17  }
0x93: {  	s2 =	sld [smem:$0x3FFC];
	_ =	sdelay $0x3  }
0x94: {  	_ =	strace s2  }
0x95: {  	s2 =	sld [smem:$0x3FFD];
	_ =	sdelay $0x3  }
0x96: {  	_ =	strace s2  }
0x97: {  	_ =	strace $0x8FFFFFFF  }
0x98: {  	s18 =	sld [smem:$0x3FDB];
	_ =	sdelay $0x1  }
0x99: {  	s19 =	simm.s32 $_scs_section_size  }
0x9a: {  	s4 =	simm.s32 $_size__tile_overlayer_lowered;
	s5 =	simm.s32 $_tile_overlayer_lowered  }
0x9b: {  	s22 =	simm.s32 $0x1BFF;
	s21 =	sshll.u32 s5, $0x1;
	s2 =	sadd.s32 s19, s18  }
0x9c: {  	s6 =	simm.s32 $0x0;
	s20 =	sshll.u32 s4, $0x1;
	s4 =	sadd.s32 s21, s2  }
0x9d: {  	[timem:s6], [sflag:s22] =	dma.local [hbm:s4], s20  }
0x9e: {  	_ =	swait.ge [sflag:s22], s20  }
0x9f: {  	s3 =	ssub.s32 $0x0, s20;
	[sflag:s22] =	ssyncset.done $0x0  }
0xa0: {  	[sflag:s22] =	ssyncadd.s32 s3;
	_ =	sdelay $0x1  }
0xa1: {  	s23 =	simm.s32 $0x1B8B  }
0xa2: {  	_ =	swait.ge [sflag:s23], $0x1  }
0xa3: {  	[sflag:s23] =	ssyncset.done $0x0  }
0xa4: {  	s25 =	simm.s32 $0x1B8E;
	s24 =	sld [smem:$0x3FFE];
	[sflag:s23] =	ssyncadd.s32 $0xFFFFFFFF  }
0xa5: {  	s26 =	simm.s32 $execute0_lowered;
	[smem:$0x3FD2] =	sst s25  }
0xa6: {  	s4 =	sshll.u32 s26, $0x1;
	_ =	strace $0x80000049;
	[dreg:$0x1] =	wrdreg $0xFFFFFFFF  }
0xa7: {  	s28 =	simm.s32 $_size_execute0_lowered;
	s2 =	sadd.s32 s2, s4;
	[dreg:$0x0] =	wrdreg $0x0  }
0xa8: {  	s4 =	sshll.u32 s28, $0x1;
	[dreg:$0x2] =	wrdreg s2  }
0xa9: {  	[dreg:$0x3] =	wrdreg s4  }
0xaa: {  	[dreg:$0x4] =	wrdreg $0xC0  }
0xab: {  	_ =	task [dreg:s6], $0x5FFFF  }
0xac: {  	[dreg:$0x1] =	wrdreg $0xFFFFFFFF  }
0xad: {  	[dreg:$0x0] =	wrdreg $0x60  }
0xae: {  	[dreg:$0x2] =	wrdreg s24  }
0xaf: {  	[dreg:$0x3] =	wrdreg $0x0  }
0xb0: {  	[dreg:$0x4] =	wrdreg $0x9  }
0xb1: {  	_ =	task.clear_ibuf [dreg:s6], $0x5FFFF;
	_ =	strace $0x90000049  }
0xb2: {  	s29 =	simm.s32 $0x9;
	_ =	strace $0x8000004B  }
0xb3: {  	_ =	swait.ge [sflag:s29], $0x1  }
0xb4: {  	[sflag:s29] =	ssyncadd.s32 $0xFFFFFFFF  }
0xb5: {  	_ =	strace $0x9000004B  }
0xb6: {  	_ =	sfence  }
0xb7: {  	s30 =	sld [smem:$0x0];
	_ =	sdelay $0x2  }
0xb8: {  	s31 =	sshll.u32 s1, $0xD;
	s1 =	sshrl.u32 s1, $0x2  }
0xb9: {  	s3 =	sand.u32 $0x4000, s31;
	s1 =	sadd.s32 s1, s30  }
0xba: {  	s0 =	sor.u32 s3, s0;
	s1 =	sshll.u32 s1, $0x11  }
0xbb: {  	s0 =	sor.u32 s1, s0  }
0xbc: {  	s0 =	sadd.s32 $0x8F2B, s0  }
0xbd: {  	[sflag:s0] =	ssyncadd.remote.s32 $0x1  }
0xbe: {  	_ =	sfence.sel $0xFFFF  }
0xbf: {  	[dreg:$0x0] =	wrdreg $0xFFFFFFFF;
	(pc) =	sbr.abs _section_cstart, $3  }
0xc0: {  	[dreg:$0x1] =	wrdreg $0xFFFFFFFF  }
0xc1: {  	_ =	task.clear_ibuf [dreg:s6], $0x2FFFF;
	_ =	strace $0x9FFFFFFF  }
0xc2: {  	(tm) =	ssettm $0x7FFFFFFF  }
0xc3: {  	_ =	shalt  }
tec
execute0_lowered:
.L_overlay_start_1:
0x0: {  	(tag) =	ssettag $0x1  }
0x1: {  	s7 =	rddreg [dreg:$0x0]  }
0x2: {  	s2 =	rddreg [dreg:$0x1]  }
0x3: {  	s0 =	rddreg [dreg:$0x2];
	s3 =	simm.s32 $0x0  }
0x4: {  	s1 =	stileid.u32;
	s5 =	srdreg.scid;
	s14 =	simm.s32 $0x13880  }
0x5: {  	s15 =	simm.s32 $0x1;
	s16 =	simm.s32 $0x15F90;
	s19 =	simm.s32 $0xC8  }
0x6: {  	s20 =	simm.s32 $0x186A0;
	s21 =	simm.s32 $0x0;
	[smem:$0x7FF] =	sst s3  }
0x7: {  	s4 =	smul.u32 $0x4E2, s1;
	s10 =	sand.u32 $0x1, s5;
	s5 =	sadd.s32 $0x32200, s7  }
0x8: {  	s6 =	sadd.s32 $0x59400, s7;
	s12 =	smul.u32 $0x13880, s1;
	s17 =	sshll.u32 s1, $0x6  }
0x9: {  	_ =	strace $0x8000004A;
	s8 =	ssub.s32 $0x2, s10;
	p0 =	seq.s32 s10, $0x1  }
.Ltmp0:
0xa: {  	s17 =	sor.u32 $0x1C01, s17;
	s9 =	sadd.s32 s4, s7;
	(pc) =	sbr.rel .LBB2_1-.Ltmp0, $4  }
0xb: {  	s4 =	sadd.s32 $0xB000, s7;
	s7 =	sadd.s32 $0x80600, s7;
	s11 =	sshrl.u32 s8, $0x1  }
0xc: {  	s18 =	sadd.s32 s12, s2;
	s10 =	sshrl.u32 s12, $0x3;
	s13 =	ssub.s32 s8, s11  }
0xd: {  	s8 =	sadd.s32 $0x6000, s9;
	s9 =	sadd.s32 $0x1000, s9;
	s11 =	sadd.s32 s4, s10  }
0xe: {  	s12 =	sadd.s32 s5, s10;
	s18 =	sshrl.u32 s18, $0x3;
	s13 =	smax.u32 s13, $0x1  }
.LBB2_7:
0xf: {  	s23 =	sadd.s32 $0x13880, s22;
	[sflag:s15] =	ssyncadd.s32 $0xFFFF9C00  }
0x10: {  	[tilespmem:s20], [sflag:$0x1] =	stream.indirect.gather [hbm4b:s5+s19], $0x80, s23, s19, $0xb8;
	[tilespmem:$0x1EAA0] =	vst v63  }
0x11: {  	_ =	swait.ge [sflag:s15], $0x6400  }
0x12: {  	[sflag:s15] =	ssyncset.done $0x0  }
0x13: {  	s31 =	sadd.s32 $0x15F90, s22;
	[sflag:s15] =	ssyncadd.s32 $0xFFFF9C00  }
0x14: {  	[spmem:s2] =	stream.indirect.scatter.add.f32 [tilespmem:s20], [sflag:$0x1], $0x80, s31, s19, $0xb8;
	[tilespmem:$0x1EAA0] =	vst v63  }
0x15: {  	_ =	swait.ge [sflag:s15], $0x6400  }
0x16: {  	[sflag:s15] =	ssyncset.done $0x0  }
0x17: {  	s22 =	smov.u32 s7;
	[sflag:s15] =	ssyncadd.s32 $0xFFFF9C00  }
.LBB2_8:
0x18: {  	s21 =	sadd.s32 $0x1, s21  }
0x19: {  	p1 =	sne.s32 s21, s13  }
.Ltmp1:
0x1a: {  	s22 =	sadd.s32 s22, s10;
	[bflag:$0x0] =	sbarrier.arrive $0xFFFF;
	(pc) =	sbr.rel @!p1 .LBB2_9-.Ltmp1, $4  }
0x1b: {  	[hbm:s22], [sflag:s17] =	dma.local [spmem:s18], $0x2710  }
0x1c: {  	_ =	swait.ge [sflag:s15], $0x2710  }
0x1d: {  	[sflag:s15] =	ssyncset.done $0x0  }
0x1e: {  	[sflag:s15] =	ssyncadd.s32 $0xFFFFD8F0  }
.LBB2_1:
0x1f: {  	[tilespmem:s14], [sflag:$0x1] =	stream.linear.gather [hbm4b:s8+s3], $0x2710, $0x38;
	[tilespmem:$0x1EAA0] =	vst v63  }
0x20: {  	_ =	swait.ge [sflag:s15], $0x2710  }
0x21: {  	[sflag:s15] =	ssyncset.done $0x0  }
.Ltmp2:
0x22: {  	[sflag:s15] =	ssyncadd.s32 $0xFFFFD8F0;
	(pc) =	sbr.rel @!p0 .LBB2_2-.Ltmp2, $4  }
0x23: {  	[tilespmem:s16], [sflag:$0x1] =	stream.linear.gather [hbm4b:s9+s3], $0x2710, $0x38;
	[tilespmem:$0x1EAA0] =	vst v63  }
0x24: {  	_ =	swait.ge [sflag:s15], $0x2710  }
0x25: {  	[sflag:s15] =	ssyncset.done $0x0  }
0x26: {  	[sflag:s15] =	ssyncadd.s32 $0xFFFFD8F0  }
0x27: {  	[spmem:s18], [sflag:s17] =	dma.local [hbm:s12], $0x2710  }
0x28: {  	_ =	swait.ge [sflag:s15], $0x2710  }
0x29: {  	[sflag:s15] =	ssyncset.done $0x0  }
0x2a: {  	[sflag:s15] =	ssyncadd.s32 $0xFFFFD8F0  }
0x2b: {  	s22 =	simm.s32 $0x13880;
	[bflag:$0x0] =	sbarrier.arrive $0xFFFF  }
0x2c: {  	[tilespmem:s20], [sflag:$0x1] =	stream.indirect.gather [hbm4b:s5+s19], $0x80, s22, s19, $0xb8;
	[tilespmem:$0x1EAA0] =	vst v63  }
0x2d: {  	_ =	swait.ge [sflag:s15], $0x6400  }
0x2e: {  	[sflag:s15] =	ssyncset.done $0x0  }
0x2f: {  	s31 =	simm.s32 $0x15F90;
	[sflag:s15] =	ssyncadd.s32 $0xFFFF9C00  }
0x30: {  	[spmem:s2] =	stream.indirect.scatter.add.f32 [tilespmem:s20], [sflag:$0x1], $0x80, s31, s19, $0xb8;
	[tilespmem:$0x1EAA0] =	vst v63  }
0x31: {  	_ =	swait.ge [sflag:s15], $0x6400  }
0x32: {  	s23 =	simm.s32 $0x640;
	s22 =	simm.s32 $0xC8;
	[sflag:s15] =	ssyncset.done $0x0  }
.LBB2_6:
0x33: {  	s24 =	sadd.s32 $0x13880, s22  }
0x34: {  	[sflag:s15] =	ssyncadd.s32 $0xFFFF9C00;
	s25 =	smov.u32 s23;
	s26 =	sadd.s32 $0x320, s23  }
0x35: {  	[tilespmem:s20], [sflag:$0x1] =	stream.indirect.gather [hbm4b:s5+s19], $0x80, s24, s19, $0xb8;
	[tilespmem:$0x1EAA0] =	vst v63  }
0x36: {  	p1 =	sne.s32 s23, $0x9920;
	_ =	swait.ge [sflag:s15], $0x6400  }
.Ltmp3:
0x37: {  	[sflag:s15] =	ssyncset.done $0x0;
	(pc) =	sbr.rel @p1 .LBB2_6-.Ltmp3, $4  }
0x38: {  	s22 =	sadd.s32 $0x15F90, s22;
	[sflag:s15] =	ssyncadd.s32 $0xFFFF9C00  }
0x39: {  	[spmem:s2] =	stream.indirect.scatter.add.f32 [tilespmem:s20], [sflag:$0x1], $0x80, s22, s19, $0xb8;
	[tilespmem:$0x1EAA0] =	vst v63  }
0x3a: {  	_ =	swait.ge [sflag:s15], $0x6400  }
0x3b: {  	s23 =	smov.u32 s26;
	s22 =	sshra.s32 s25, $0x2;
	[sflag:s15] =	ssyncset.done $0x0  }
.Ltmp4:
0x3c: {  	_ = 	snop;
	(pc) =	sbr.rel .LBB2_7-.Ltmp4, $1  }
0x3d: {  	_ =	sdelay $0x3  }
.LBB2_2:
0x3e: {  	[spmem:s18], [sflag:s17] =	dma.local [hbm:s11], $0x2710  }
0x3f: {  	_ =	swait.ge [sflag:s15], $0x2710  }
0x40: {  	[sflag:s15] =	ssyncset.done $0x0  }
0x41: {  	[sflag:s15] =	ssyncadd.s32 $0xFFFFD8F0  }
0x42: {  	s22 =	simm.s32 $0x13880;
	[bflag:$0x0] =	sbarrier.arrive $0xFFFF  }
0x43: {  	[tilespmem:s20], [sflag:$0x1] =	stream.indirect.gather [hbm4b:s4+s19], $0x80, s22, s19, $0xb8;
	[tilespmem:$0x1EAA0] =	vst v63  }
0x44: {  	_ =	swait.ge [sflag:s15], $0x6400  }
0x45: {  	[sflag:s15] =	ssyncset.done $0x0  }
0x46: {  	s31 =	simm.s32 $0x15F90;
	[sflag:s15] =	ssyncadd.s32 $0xFFFF9C00  }
0x47: {  	[spmem:s2] =	stream.indirect.scatter.add.f32 [tilespmem:s20], [sflag:$0x1], $0x80, s31, s19, $0xb8;
	[tilespmem:$0x1EAA0] =	vst v63  }
0x48: {  	_ =	swait.ge [sflag:s15], $0x6400  }
0x49: {  	s23 =	simm.s32 $0x640;
	s22 =	simm.s32 $0xC8;
	[sflag:s15] =	ssyncset.done $0x0  }
.LBB2_3:
0x4a: {  	s24 =	sadd.s32 $0x13880, s22  }
0x4b: {  	[sflag:s15] =	ssyncadd.s32 $0xFFFF9C00;
	s25 =	smov.u32 s23;
	s26 =	sadd.s32 $0x320, s23  }
0x4c: {  	[tilespmem:s20], [sflag:$0x1] =	stream.indirect.gather [hbm4b:s4+s19], $0x80, s24, s19, $0xb8;
	[tilespmem:$0x1EAA0] =	vst v63  }
0x4d: {  	p1 =	seq.s32 s23, $0x9920;
	_ =	swait.ge [sflag:s15], $0x6400  }
.Ltmp5:
0x4e: {  	[sflag:s15] =	ssyncset.done $0x0;
	(pc) =	sbr.rel @!p1 .LBB2_3-.Ltmp5, $4  }
0x4f: {  	s22 =	sadd.s32 $0x15F90, s22;
	[sflag:s15] =	ssyncadd.s32 $0xFFFF9C00  }
0x50: {  	[spmem:s2] =	stream.indirect.scatter.add.f32 [tilespmem:s20], [sflag:$0x1], $0x80, s22, s19, $0xb8;
	[tilespmem:$0x1EAA0] =	vst v63  }
0x51: {  	_ =	swait.ge [sflag:s15], $0x6400  }
0x52: {  	s23 =	smov.u32 s26;
	s22 =	sshra.s32 s25, $0x2;
	[sflag:s15] =	ssyncset.done $0x0  }
0x53: {  	s23 =	sadd.s32 $0x13880, s22;
	[sflag:s15] =	ssyncadd.s32 $0xFFFF9C00  }
0x54: {  	[tilespmem:s20], [sflag:$0x1] =	stream.indirect.gather [hbm4b:s4+s19], $0x80, s23, s19, $0xb8;
	[tilespmem:$0x1EAA0] =	vst v63  }
0x55: {  	_ =	swait.ge [sflag:s15], $0x6400  }
0x56: {  	[sflag:s15] =	ssyncset.done $0x0  }
.Ltmp6:
0x57: {  	s31 =	sadd.s32 $0x15F90, s22;
	[sflag:s15] =	ssyncadd.s32 $0xFFFF9C00;
	(pc) =	sbr.rel .LBB2_8-.Ltmp6, $4  }
0x58: {  	[spmem:s2] =	stream.indirect.scatter.add.f32 [tilespmem:s20], [sflag:$0x1], $0x80, s31, s19, $0xb8;
	[tilespmem:$0x1EAA0] =	vst v63  }
0x59: {  	_ =	swait.ge [sflag:s15], $0x6400  }
0x5a: {  	[sflag:s15] =	ssyncset.done $0x0  }
0x5b: {  	s22 =	smov.u32 s6;
	[sflag:s15] =	ssyncadd.s32 $0xFFFF9C00  }
.LBB2_9:
0x5c: {  	_ =	sfence.sel $0x180000  }
0x5d: {  	[bflag:$0x0] =	sbarrier.arrive $0xFFFF  }
0x5e: {  	p0 =	sne.s32 s1, $0x0;
	_ =	strace $0x9000004A  }
0x5f: {  	s0 =	sadd.s32 @!p0 $0x100000, s0;
	[bflag:$0x2] =	sbarrier.arrive $0xFFFF  }
0x60: {  	[sflag:s0] =	ssyncadd.tile.s32 @!p0 $0x1;
	_ =	shalt  }
.Lfunc_end2:
_tile_overlayer_lowered:
.L_overlay_start_2:
0x61: {  	(tag) =	ssettag $0x2  }
0x62: {  	s0 =	rddreg [dreg:$0x0];
	s2 =	stileid.u32  }
0x63: {  	s1 =	rddreg [dreg:$0x1];
	p0 =	sne.s32 s2, $0x0  }
0x64: {  	s3 =	rddreg [dreg:$0x2];
	[bflag:$0x3] =	sbarrier.arrive $0xFFFF;
	s2 =	simm.s32 @!p0 $0x1C01  }
0x65: {  	[timem:s3], [sflag:s2] =	dma.local @!p0 [hbm:s0], s1  }
0x66: {  	s0 =	simm.s32 @!p0 $0x1  }
0x67: {  	_ =	swait.ge @!p0 [sflag:s0], s1  }
0x68: {  	s1 =	ssub.s32 @!p0 $0x0, s1;
	[sflag:s0] =	ssyncset.done @!p0 $0x0  }
0x69: {  	[sflag:s0] =	ssyncadd.s32 @!p0 s1  }
0x6a: {  	[bflag:$0x3] =	sbarrier.arrive $0xFFFF  }
0x6b: {  	_ =	shalt  }

// kernel: kernel.14.cloned.1.call-start
scs
__scs_entry_jumppad:
0x0: {  	(pc) =	sbr.rel $0x88, $3  }
0x1: {  	(tag) =	ssettag $0x0;
	lr =	simm.s32 $0x1  }
0x2: {  	[smem:$0x3F9B] =	sst lr;
	_ =	strace $0xD0000000  }
0x3: {  	_ = 	snop  }
0x4: {  	_ = 	snop  }
0x5: {  	_ = 	snop  }
0x6: {  	_ = 	snop  }
0x7: {  	_ = 	snop  }
__scs_overlays_trampoline_lowered:
0x8: {  	[smem:$0x3FAA] =	sst s0  }
0x9: {  	[smem:$0x3FAB] =	sst s1  }
0xa: {  	[smem:$0x3FAC] =	sst s2  }
0xb: {  	[smem:$0x3FAD] =	sst s3  }
0xc: {  	[smem:$0x3FAE] =	sst s4  }
0xd: {  	[smem:$0x3FAF] =	sst s5  }
0xe: {  	[smem:$0x3FB0] =	sst s6  }
0xf: {  	[smem:$0x3FB1] =	sst s7  }
0x10: {  	[smem:$0x3FB2] =	sst s8  }
0x11: {  	[smem:$0x3FB3] =	sst s9;
	s0 =	simm.s32 @!p0 $0x0  }
0x12: {  	s1 =	sld [smem:$0x3F99];
	s0 =	simm.s32 @p0 $0x1  }
0x13: {  	[smem:$0x3FB4] =	sst s0;
	s0 =	simm.s32 @!p1 $0x0  }
0x14: {  	s2 =	sld [smem:$0x3F98];
	s0 =	simm.s32 @p1 $0x1  }
0x15: {  	[smem:$0x3FB5] =	sst s0;
	s0 =	simm.s32 @!p2 $0x0  }
0x16: {  	s3 =	sld [smem:$0x3FDB];
	s0 =	simm.s32 @p2 $0x1  }
0x17: {  	s4 =	simm.s32 $0x1BF5;
	[smem:$0x3FB7] =	sst s0  }
0x18: {  	s0 =	sld [smem:$0x3F9A];
	_ =	swait.ge [sflag:s4], $0x0  }
0x19: {  	s7 =	sld [smem:$0x3F9B]  }
0x1a: {  	s8 =	sadd.s32 $0xFFFFE003, lr  }
0x1b: {  	s9 =	sadd.s32 $0xFFFFFEF7, lr;
	s5 =	simm.s32 $0xFFFFFFFF;
	p2 =	slt.u32 s8, $0xFFFFF086  }
0x1c: {  	p1 =	slt.u32 s9, $0xF7A;
	s5 =	simm.s32 @!p2 $0x0  }
0x1d: {  	s5 =	simm.s32 @p1 $0x1;
	p0 =	seq.s32 s7, s2  }
0x1e: {  	s7 =	smul.u32 @!p0 $0xF7A, s2;
	p2 =	seq.s32 @!p0 s5, $0x0  }
0x1f: {  	s9 =	smul.u32 $0xF7A, s1;
	s8 =	simm.s32 @!p0 $0x1BF5;
	p2 =	por !p2, p0  }
0x20: {  	[sflag:s8] =	ssyncset.s32 @!p0 $0xFFFFF086;
	s6 =	sadd.s32 @!p0 s3, s7;
	s7 =	simm.s32 @!p0 $0x108  }
0x21: {  	s3 =	sadd.s32 s3, s9;
	s6 =	sadd.s32 @!p0 $0x88, s6;
	s7 =	simm.s32 @p2 $0x1082  }
0x22: {  	[simem:s7], [sflag:s8] =	dma.local @!p0 [hbm:s6], $0xF7A  }
0x23: {  	s9 =	sor.u32 $0xD0000000, s2;
	s6 =	simm.s32 $0x108;
	_ =	swait.ge @!p0 [sflag:s8], $0x0  }
0x24: {  	s3 =	sadd.s32 $0x88, s3;
	s6 =	simm.s32 @!p1 $0x1082;
	[sflag:s4] =	ssyncset.s32 $0xFFFFF086  }
0x25: {  	[simem:s6], [sflag:s4] =	dma.local [hbm:s3], $0xF7A  }
0x26: {  	[smem:$0x3F9B] =	sst s1;
	(tag) =	ssettag s2;
	_ =	strace s9  }
0x27: {  	s1 =	sld [smem:$0x3FAB]  }
0x28: {  	s2 =	sld [smem:$0x3FAC]  }
0x29: {  	s4 =	sld [smem:$0x3FAE]  }
0x2a: {  	p0 =	seq.s32 s5, $0x0;
	s5 =	sld [smem:$0x3FAF]  }
0x2b: {  	s6 =	sld [smem:$0x3FB0]  }
0x2c: {  	s7 =	sld [smem:$0x3FB1]  }
0x2d: {  	s3 =	simm.s32 $0x108;
	s8 =	sld [smem:$0x3FB2]  }
0x2e: {  	s3 =	simm.s32 @!p0 $0x1082;
	s9 =	sld [smem:$0x3FB3]  }
0x2f: {  	lr =	sadd.s32 s0, s3;
	s0 =	sld [smem:$0x3FAA]  }
0x30: {  	s3 =	sld [smem:$0x3FAD]  }
0x31: {  	[smem:$0x3FB6] =	sst s10  }
0x32: {  	s10 =	sld [smem:$0x3FB4];
	_ =	sdelay $0x3  }
0x33: {  	p0 =	seq.s32 s10, $0x1;
	s10 =	sld [smem:$0x3FB6];
	_ =	sdelay $0x3  }
0x34: {  	[smem:$0x3FB6] =	sst s10  }
0x35: {  	s10 =	sld [smem:$0x3FB5];
	_ =	sdelay $0x3  }
0x36: {  	p1 =	seq.s32 s10, $0x1;
	s10 =	sld [smem:$0x3FB6];
	_ =	sdelay $0x3  }
0x37: {  	[smem:$0x3FB6] =	sst s10  }
0x38: {  	s10 =	sld [smem:$0x3FB7]  }
0x39: {  	_ = 	snop;
	(pc) =	sbr.ind lr, $3  }
0x3a: {  	_ = 	snop  }
0x3b: {  	_ = 	snop  }
0x3c: {  	p2 =	seq.s32 s10, $0x1;
	s10 =	sld [smem:$0x3FB6]  }
0x3d: {  	_ =	shalt  }
0x3e: {  	_ =	shalt  }
0x3f: {  	_ =	shalt  }
0x40: {  	_ =	shalt  }
0x41: {  	_ =	shalt  }
0x42: {  	_ =	shalt  }
0x43: {  	_ =	shalt  }
0x44: {  	_ =	shalt  }
0x45: {  	_ =	shalt  }
0x46: {  	_ =	shalt  }
0x47: {  	_ =	shalt  }
0x48: {  	_ =	shalt  }
0x49: {  	_ =	shalt  }
0x4a: {  	_ =	shalt  }
0x4b: {  	_ =	shalt  }
0x4c: {  	_ =	shalt  }
0x4d: {  	_ =	shalt  }
0x4e: {  	_ =	shalt  }
0x4f: {  	_ =	shalt  }
0x50: {  	_ =	shalt  }
0x51: {  	_ =	shalt  }
0x52: {  	_ =	shalt  }
0x53: {  	_ =	shalt  }
0x54: {  	_ =	shalt  }
0x55: {  	_ =	shalt  }
0x56: {  	_ =	shalt  }
0x57: {  	_ =	shalt  }
0x58: {  	_ =	shalt  }
0x59: {  	_ =	shalt  }
0x5a: {  	_ =	shalt  }
0x5b: {  	_ =	shalt  }
0x5c: {  	_ =	shalt  }
0x5d: {  	_ =	shalt  }
0x5e: {  	_ =	shalt  }
0x5f: {  	_ =	shalt  }
0x60: {  	_ =	shalt  }
0x61: {  	_ =	shalt  }
0x62: {  	_ =	shalt  }
0x63: {  	_ =	shalt  }
0x64: {  	_ =	shalt  }
0x65: {  	_ =	shalt  }
0x66: {  	_ =	shalt  }
0x67: {  	_ =	shalt  }
0x68: {  	_ =	shalt  }
0x69: {  	_ =	shalt  }
0x6a: {  	_ =	shalt  }
0x6b: {  	_ =	shalt  }
0x6c: {  	_ =	shalt  }
0x6d: {  	_ =	shalt  }
0x6e: {  	_ =	shalt  }
0x6f: {  	_ =	shalt  }
0x70: {  	_ =	shalt  }
0x71: {  	_ =	shalt  }
0x72: {  	_ =	shalt  }
0x73: {  	_ =	shalt  }
0x74: {  	_ =	shalt  }
0x75: {  	_ =	shalt  }
0x76: {  	_ =	shalt  }
0x77: {  	_ =	shalt  }
0x78: {  	_ =	shalt  }
0x79: {  	_ =	shalt  }
0x7a: {  	_ =	shalt  }
0x7b: {  	_ =	shalt  }
0x7c: {  	_ =	shalt  }
0x7d: {  	_ =	shalt  }
0x7e: {  	_ =	shalt  }
0x7f: {  	_ =	shalt  }
0x80: {  	_ =	shalt  }
0x81: {  	_ =	shalt  }
0x82: {  	_ =	shalt  }
0x83: {  	_ =	shalt  }
0x84: {  	_ =	shalt  }
0x85: {  	_ =	shalt  }
0x86: {  	_ =	shalt  }
0x87: {  	_ =	shalt  }
.Lfunc_end0:
.L_simem_size_0:
called_computation.2_lowered:
.L_overlay_start_0:
0x88: {  	s2 =	sld [smem:$0x3FD9]  }
0x89: {  	s3 =	sld [smem:$0x3FFE];
	_ =	sdelay $0x1  }
0x8a: {  	s1 =	srdreg.scid  }
0x8b: {  	s0 =	sand.u32 $0x1, s1  }
0x8c: {  	s17 =	sshll.u32 s0, $0xA;
	s2 =	sadd.s32 s3, s2  }
0x8d: {  	s2 =	sadd.s32 s2, s17  }
0x8e: {  	[smem:$0x3FC2] =	sst s2  }
0x8f: {  	_ = 	snop  }
0x90: {  	s2 =	sld [smem:$0x3FD0];
	(tm) =	ssettm $0x1  }
0x91: {  	s18 =	sld [smem:$0x3FFB];
	_ =	sdelay $0x3  }
0x92: {  	_ =	strace s18  }
0x93: {  	s3 =	sld [smem:$0x3FFC];
	_ =	sdelay $0x3  }
0x94: {  	_ =	strace s3  }
0x95: {  	s3 =	sld [smem:$0x3FFD];
	_ =	sdelay $0x3  }
0x96: {  	_ =	strace s3  }
0x97: {  	_ =	strace $0x8FFFFFFF  }
0x98: {  	s19 =	sld [smem:$0x3FDB];
	_ =	sdelay $0x1  }
0x99: {  	s4 =	simm.s32 $_scs_section_size  }
0x9a: {  	s5 =	simm.s32 $_size__tile_overlayer_lowered;
	s6 =	simm.s32 $_tile_overlayer_lowered  }
0x9b: {  	s22 =	simm.s32 $0x1BFF;
	s21 =	sshll.u32 s6, $0x1;
	s3 =	sadd.s32 s4, s19  }
0x9c: {  	s7 =	simm.s32 $0x0;
	s20 =	sshll.u32 s5, $0x1;
	s5 =	sadd.s32 s21, s3  }
0x9d: {  	[timem:s7], [sflag:s22] =	dma.local [hbm:s5], s20  }
0x9e: {  	_ =	swait.ge [sflag:s22], s20  }
0x9f: {  	s4 =	ssub.s32 $0x0, s20;
	[sflag:s22] =	ssyncset.done $0x0  }
0xa0: {  	[sflag:s22] =	ssyncadd.s32 s4;
	_ =	sdelay $0x1  }
0xa1: {  	s23 =	simm.s32 $0x1B8B  }
0xa2: {  	_ =	swait.ge [sflag:s23], $0x1  }
0xa3: {  	[sflag:s23] =	ssyncset.done $0x0  }
0xa4: {  	s25 =	simm.s32 $0x1B8E;
	s24 =	sld [smem:$0x3FFE];
	[sflag:s23] =	ssyncadd.s32 $0xFFFFFFFF  }
0xa5: {  	s26 =	simm.s32 $execute0_lowered;
	[smem:$0x3FD2] =	sst s25  }
0xa6: {  	s5 =	sshll.u32 s26, $0x1;
	_ =	strace $0x8000004C;
	[dreg:$0x1] =	wrdreg $0xFFFFFFFF  }
0xa7: {  	s28 =	simm.s32 $_size_execute0_lowered;
	s3 =	sadd.s32 s3, s5;
	[dreg:$0x0] =	wrdreg $0x0  }
0xa8: {  	s5 =	sshll.u32 s28, $0x1;
	[dreg:$0x2] =	wrdreg s3  }
0xa9: {  	[dreg:$0x3] =	wrdreg s5  }
0xaa: {  	[dreg:$0x4] =	wrdreg $0xC0  }
0xab: {  	_ =	task [dreg:s7], $0x5FFFF  }
0xac: {  	[dreg:$0x1] =	wrdreg $0xFFFFFFFF  }
0xad: {  	[dreg:$0x0] =	wrdreg $0x60  }
0xae: {  	[dreg:$0x2] =	wrdreg s24  }
0xaf: {  	[dreg:$0x3] =	wrdreg s2  }
0xb0: {  	[dreg:$0x4] =	wrdreg $0x0  }
0xb1: {  	[dreg:$0x5] =	wrdreg $0x9  }
0xb2: {  	_ =	task.clear_ibuf [dreg:s7], $0x6FFFF;
	_ =	strace $0x9000004C  }
0xb3: {  	s29 =	simm.s32 $0x9;
	_ =	strace $0x8000004E  }
0xb4: {  	_ =	swait.ge [sflag:s29], $0x1  }
0xb5: {  	[sflag:s29] =	ssyncadd.s32 $0xFFFFFFFF  }
0xb6: {  	_ =	strace $0x9000004E  }
0xb7: {  	_ =	sfence  }
0xb8: {  	s30 =	sld [smem:$0x0];
	_ =	sdelay $0x2  }
0xb9: {  	s31 =	sshll.u32 s1, $0xD;
	s1 =	sshrl.u32 s1, $0x2  }
0xba: {  	s3 =	sand.u32 $0x4000, s31;
	s1 =	sadd.s32 s1, s30  }
0xbb: {  	s0 =	sor.u32 s3, s0;
	s1 =	sshll.u32 s1, $0x11  }
0xbc: {  	s0 =	sor.u32 s1, s0  }
0xbd: {  	s0 =	sadd.s32 $0x8F2B, s0  }
0xbe: {  	[sflag:s0] =	ssyncadd.remote.s32 $0x1  }
0xbf: {  	_ =	sfence.sel $0xFFFF  }
0xc0: {  	[dreg:$0x0] =	wrdreg $0xFFFFFFFF;
	(pc) =	sbr.abs _section_cstart, $3  }
0xc1: {  	[dreg:$0x1] =	wrdreg $0xFFFFFFFF  }
0xc2: {  	_ =	task.clear_ibuf [dreg:s7], $0x2FFFF;
	_ =	strace $0x9FFFFFFF  }
0xc3: {  	(tm) =	ssettm $0x7FFFFFFF  }
tec
execute0_lowered:
.L_overlay_start_1:
0x0: {  	(tag) =	ssettag $0x1  }
0x1: {  	s5 =	rddreg [dreg:$0x0]  }
0x2: {  	s0 =	srdreg.scid;
	s1 =	rddreg [dreg:$0x1]  }
0x3: {  	s16 =	stileid.u32;
	s2 =	rddreg [dreg:$0x2];
	s3 =	simm.s32 $0x0  }
0x4: {  	s12 =	simm.s32 $0x29F8;
	s13 =	simm.s32 $0x1;
	s14 =	simm.s32 $0x3DF8  }
0x5: {  	s15 =	simm.s32 $0x278;
	s6 =	sand.u32 $0x1, s0;
	s0 =	rddreg [dreg:$0x3]  }
0x6: {  	s17 =	simm.s32 $0x51F8;
	s19 =	simm.s32 $0x0;
	[smem:$0x7FF] =	sst s3  }
0x7: {  	p0 =	seq.s32 s16, $0x0;
	p2 =	sne.s32 s16, $0x0;
	s7 =	sshll.u32 s6, $0x4  }
0x8: {  	_ =	strace $0x8000004D;
	s9 =	ssub.s32 $0x2, s6;
	p1 =	seq.s32 s6, $0x1  }
0x9: {  	s10 =	sor.u32 s6, s16;
	s18 =	sshrl.u32 @!p2 s2, $0x3;
	s4 =	sor.u32 s16, s7  }
0xa: {  	s7 =	sadd.s32 s7, s5;
	s31 =	sshrl.u32 s9, $0x1;
	s4 =	smul.u32 $0x271, s4  }
0xb: {  	p0 =	por !p0, !p1;
	p1 =	sne.s32 s10, $0x0;
	s9 =	ssub.s32 s9, s31  }
0xc: {  	p0 =	por !p0, !p0;
	s7 =	sadd.s32 $0xB600, s7;
	s8 =	sadd.s32 s4, s5  }
0xd: {  	s10 =	sshrl.u32 @!p1 s2, $0x3;
	s4 =	sadd.s32 $0xB000, s5;
	s5 =	sadd.s32 $0x6000, s8  }
0xe: {  	s6 =	sadd.s32 $0x1000, s8;
	s8 =	smax.u32 s9, $0x1;
	s9 =	sshll.u32 @!p1 s16, $0x6  }
0xf: {  	vm0 =	vmmov $0xff;
	s11 =	sshrl.u32 @p0 s2, $0x3;
	s16 =	simm.s32 $0x1388;
	s9 =	sor.u32 @!p1 $0x1C01, s9  }
.LBB2_1:
0x10: {  	[spmem:s10], [sflag:s9] =	dma.local @!p1 [hbm:s4], $0x4F0  }
0x11: {  	s20 =	simm.s32 @!p1 $0x1  }
0x12: {  	_ =	swait.ge @!p1 [sflag:s20], $0x4F0  }
0x13: {  	[sflag:s20] =	ssyncset.done @!p1 $0x0  }
0x14: {  	[sflag:s20] =	ssyncadd.s32 @!p1 $0xFFFFFB10;
	s20 =	simm.s32 @p0 $0x1C01  }
0x15: {  	[spmem:s11], [sflag:s20] =	dma.local @p0 [hbm:s1], $0x4F0  }
0x16: {  	s20 =	simm.s32 @p0 $0x1  }
0x17: {  	_ =	swait.ge @p0 [sflag:s20], $0x4F0  }
0x18: {  	[sflag:s20] =	ssyncset.done @p0 $0x0  }
0x19: {  	[sflag:s20] =	ssyncadd.s32 @p0 $0xFFFFFB10  }
0x1a: {  	[tilespmem:s12], [sflag:$0x1] =	stream.linear.gather [hbm4b:s5+s3], $0x1388, $0x38;
	[tilespmem:$0x65F8] =	vst v63  }
0x1b: {  	_ =	swait.ge [sflag:s13], $0x1388  }
0x1c: {  	[sflag:s13] =	ssyncset.done $0x0  }
0x1d: {  	[sflag:s13] =	ssyncadd.s32 $0xFFFFEC78  }
0x1e: {  	[tilespmem:s14], [sflag:$0x1] =	stream.linear.gather [hbm4b:s6+s3], $0x1388, $0x38;
	[tilespmem:$0x65F8] =	vst v63  }
0x1f: {  	_ =	swait.ge [sflag:s13], $0x1388  }
0x20: {  	[sflag:s13] =	ssyncset.done $0x0  }
0x21: {  	[sflag:s13] =	ssyncadd.s32 $0xFFFFEC78  }
0x22: {  	[tilespmem:s15], [sflag:$0x1] =	stream.linear.gather [hbm4b:s4+s3], $0x2780, $0x38;
	[tilespmem:$0x65F8] =	vst v63  }
0x23: {  	_ =	swait.ge [sflag:s13], $0x2780  }
0x24: {  	[sflag:s13] =	ssyncset.done $0x0  }
0x25: {  	s20 =	simm.s32 $0x0;
	[sflag:s13] =	ssyncadd.s32 $0xFFFFD880  }
0x26: {  	v0 =	vld [tilespmem:s20+$0x29F8];
	_ =	sdelay $0x7  }
0x27: {  	s21 =	simm.s32 $0x10;
	s22 =	simm.s32 $0x80;
	v0 =	vld.idx.msk [tilespmem:v0+s15+$0x0], $0xffff  }
.LBB2_2:
0x28: {  	p3 =	sne.s32 s22, $0x4DC0;
	v1 =	vld [tilespmem:s21+$0x29F8];
	_ =	sdelay $0x3  }
.Ltmp0:
0x29: {  	(pc) =	sbr.rel @p3 .LBB2_2-.Ltmp0, $2  }
0x2a: {  	[tilespmem:s20+$0x51F8] =	vst v0;
	s20 =	smov.u32 s21;
	_ =	sdelay $0x2  }
0x2b: {  	s21 =	sshra.s32 s22, $0x2;
	s22 =	sadd.s32 $0x40, s22;
	v0 =	vld.idx.msk [tilespmem:v1+s15+$0x0], $0xffff  }
0x2c: {  	v1 =	vld [tilespmem:s21+$0x29F8];
	_ =	sdelay $0x6  }
0x2d: {  	[tilespmem:s20+$0x51F8] =	vst v0  }
0x2e: {  	v0 =	vld.idx.msk [tilespmem:v1+s15+$0x0], $0xffff;
	_ =	sdelay $0x4  }
0x2f: {  	[tilespmem:s21+$0x51F8] =	vst v0  }
0x30: {  	v0 =	vld [tilespmem:$0x3D78];
	_ =	sdelay $0x4  }
0x31: {  	v0 =	vnsel vm0, $0x0, v0;
	_ =	sdelay $0x4  }
0x32: {  	v0 =	vld.idx.msk [tilespmem:v0+s15+$0x0], $0xffff;
	_ =	sdelay $0x4  }
0x33: {  	[tilespmem:$0x6578] =	vst v0  }
0x34: {  	[bflag:$0x0] =	sbarrier.arrive $0xFFFF  }
0x35: {  	[spmem:s2] =	stream.indirect.scatter.add.f32 [tilespmem:s17], [sflag:$0x1], $0x1, s14, s16, $0xb8;
	[tilespmem:$0x65F8] =	vst v63  }
0x36: {  	s22 =	simm.s32 @!p2 $0x10;
	_ =	swait.ge [sflag:s13], $0x1388  }
0x37: {  	s23 =	simm.s32 @!p2 $0x1C01;
	s19 =	sadd.s32 $0x1, s19;
	[sflag:s13] =	ssyncset.done $0x0  }
0x38: {  	p3 =	sne.s32 s19, s8;
	s20 =	simm.s32 @!p2 $0x1;
	[sflag:s13] =	ssyncadd.s32 $0xFFFFEC78  }
.Ltmp1:
0x39: {  	s21 =	simm.s32 @!p2 $0x20;
	[bflag:$0x0] =	sbarrier.arrive $0xFFFF;
	(pc) =	sbr.rel @p3 .LBB2_1-.Ltmp1, $4  }
0x3a: {  	[hbm:s7@s21], [sflag:s23] =	dma.strided @!p2 [spmem:s18@s22], $0x4F0, s20, $0x10   }
0x3b: {  	_ =	swait.ge @!p2 [sflag:s20], $0x4F0  }
0x3c: {  	[sflag:s20] =	ssyncset.done @!p2 $0x0  }
0x3d: {  	[sflag:s20] =	ssyncadd.s32 @!p2 $0xFFFFFB10  }
0x3e: {  	_ =	sfence.sel $0x180000  }
0x3f: {  	[bflag:$0x0] =	sbarrier.arrive $0xFFFF  }
0x40: {  	_ =	strace $0x9000004D  }
0x41: {  	s0 =	sadd.s32 @!p2 $0x100000, s0;
	[bflag:$0x2] =	sbarrier.arrive $0xFFFF  }
0x42: {  	[sflag:s0] =	ssyncadd.tile.s32 @!p2 $0x1;
	_ =	shalt  }
.Lfunc_end2:
_tile_overlayer_lowered:
.L_overlay_start_2:
0x43: {  	(tag) =	ssettag $0x2  }
0x44: {  	s0 =	rddreg [dreg:$0x0];
	s2 =	stileid.u32  }
0x45: {  	s1 =	rddreg [dreg:$0x1];
	p0 =	sne.s32 s2, $0x0  }
0x46: {  	s3 =	rddreg [dreg:$0x2];
	[bflag:$0x3] =	sbarrier.arrive $0xFFFF;
	s2 =	simm.s32 @!p0 $0x1C01  }
0x47: {  	[timem:s3], [sflag:s2] =	dma.local @!p0 [hbm:s0], s1  }
0x48: {  	s0 =	simm.s32 @!p0 $0x1  }
0x49: {  	_ =	swait.ge @!p0 [sflag:s0], s1  }
0x4a: {  	s1 =	ssub.s32 @!p0 $0x0, s1;
	[sflag:s0] =	ssyncset.done @!p0 $0x0  }
0x4b: {  	[sflag:s0] =	ssyncadd.s32 @!p0 s1  }
0x4c: {  	[bflag:$0x3] =	sbarrier.arrive $0xFFFF  }
0x4d: {  	_ =	shalt  }

// kernel: kernel.8.cloned.1.call-start
scs
__scs_entry_jumppad:
0x0: {  	(pc) =	sbr.rel $0x88, $3  }
0x1: {  	(tag) =	ssettag $0x0;
	lr =	simm.s32 $0x1  }
0x2: {  	[smem:$0x3F9B] =	sst lr;
	_ =	strace $0xD0000000  }
0x3: {  	_ = 	snop  }
0x4: {  	_ = 	snop  }
0x5: {  	_ = 	snop  }
0x6: {  	_ = 	snop  }
0x7: {  	_ = 	snop  }
__scs_overlays_trampoline_lowered:
0x8: {  	[smem:$0x3FAA] =	sst s0  }
0x9: {  	[smem:$0x3FAB] =	sst s1  }
0xa: {  	[smem:$0x3FAC] =	sst s2  }
0xb: {  	[smem:$0x3FAD] =	sst s3  }
0xc: {  	[smem:$0x3FAE] =	sst s4  }
0xd: {  	[smem:$0x3FAF] =	sst s5  }
0xe: {  	[smem:$0x3FB0] =	sst s6  }
0xf: {  	[smem:$0x3FB1] =	sst s7  }
0x10: {  	[smem:$0x3FB2] =	sst s8  }
0x11: {  	[smem:$0x3FB3] =	sst s9;
	s0 =	simm.s32 @!p0 $0x0  }
0x12: {  	s1 =	sld [smem:$0x3F99];
	s0 =	simm.s32 @p0 $0x1  }
0x13: {  	[smem:$0x3FB4] =	sst s0;
	s0 =	simm.s32 @!p1 $0x0  }
0x14: {  	s2 =	sld [smem:$0x3F98];
	s0 =	simm.s32 @p1 $0x1  }
0x15: {  	[smem:$0x3FB5] =	sst s0;
	s0 =	simm.s32 @!p2 $0x0  }
0x16: {  	s3 =	sld [smem:$0x3FDB];
	s0 =	simm.s32 @p2 $0x1  }
0x17: {  	s4 =	simm.s32 $0x1BF5;
	[smem:$0x3FB7] =	sst s0  }
0x18: {  	s0 =	sld [smem:$0x3F9A];
	_ =	swait.ge [sflag:s4], $0x0  }
0x19: {  	s7 =	sld [smem:$0x3F9B]  }
0x1a: {  	s8 =	sadd.s32 $0xFFFFE003, lr  }
0x1b: {  	s9 =	sadd.s32 $0xFFFFFEF7, lr;
	s5 =	simm.s32 $0xFFFFFFFF;
	p2 =	slt.u32 s8, $0xFFFFF086  }
0x1c: {  	p1 =	slt.u32 s9, $0xF7A;
	s5 =	simm.s32 @!p2 $0x0  }
0x1d: {  	s5 =	simm.s32 @p1 $0x1;
	p0 =	seq.s32 s7, s2  }
0x1e: {  	s7 =	smul.u32 @!p0 $0xF7A, s2;
	p2 =	seq.s32 @!p0 s5, $0x0  }
0x1f: {  	s9 =	smul.u32 $0xF7A, s1;
	s8 =	simm.s32 @!p0 $0x1BF5;
	p2 =	por !p2, p0  }
0x20: {  	[sflag:s8] =	ssyncset.s32 @!p0 $0xFFFFF086;
	s6 =	sadd.s32 @!p0 s3, s7;
	s7 =	simm.s32 @!p0 $0x108  }
0x21: {  	s3 =	sadd.s32 s3, s9;
	s6 =	sadd.s32 @!p0 $0x88, s6;
	s7 =	simm.s32 @p2 $0x1082  }
0x22: {  	[simem:s7], [sflag:s8] =	dma.local @!p0 [hbm:s6], $0xF7A  }
0x23: {  	s9 =	sor.u32 $0xD0000000, s2;
	s6 =	simm.s32 $0x108;
	_ =	swait.ge @!p0 [sflag:s8], $0x0  }
0x24: {  	s3 =	sadd.s32 $0x88, s3;
	s6 =	simm.s32 @!p1 $0x1082;
	[sflag:s4] =	ssyncset.s32 $0xFFFFF086  }
0x25: {  	[simem:s6], [sflag:s4] =	dma.local [hbm:s3], $0xF7A  }
0x26: {  	[smem:$0x3F9B] =	sst s1;
	(tag) =	ssettag s2;
	_ =	strace s9  }
0x27: {  	s1 =	sld [smem:$0x3FAB]  }
0x28: {  	s2 =	sld [smem:$0x3FAC]  }
0x29: {  	s4 =	sld [smem:$0x3FAE]  }
0x2a: {  	p0 =	seq.s32 s5, $0x0;
	s5 =	sld [smem:$0x3FAF]  }
0x2b: {  	s6 =	sld [smem:$0x3FB0]  }
0x2c: {  	s7 =	sld [smem:$0x3FB1]  }
0x2d: {  	s3 =	simm.s32 $0x108;
	s8 =	sld [smem:$0x3FB2]  }
0x2e: {  	s3 =	simm.s32 @!p0 $0x1082;
	s9 =	sld [smem:$0x3FB3]  }
0x2f: {  	lr =	sadd.s32 s0, s3;
	s0 =	sld [smem:$0x3FAA]  }
0x30: {  	s3 =	sld [smem:$0x3FAD]  }
0x31: {  	[smem:$0x3FB6] =	sst s10  }
0x32: {  	s10 =	sld [smem:$0x3FB4];
	_ =	sdelay $0x3  }
0x33: {  	p0 =	seq.s32 s10, $0x1;
	s10 =	sld [smem:$0x3FB6];
	_ =	sdelay $0x3  }
0x34: {  	[smem:$0x3FB6] =	sst s10  }
0x35: {  	s10 =	sld [smem:$0x3FB5];
	_ =	sdelay $0x3  }
0x36: {  	p1 =	seq.s32 s10, $0x1;
	s10 =	sld [smem:$0x3FB6];
	_ =	sdelay $0x3  }
0x37: {  	[smem:$0x3FB6] =	sst s10  }
0x38: {  	s10 =	sld [smem:$0x3FB7]  }
0x39: {  	_ = 	snop;
	(pc) =	sbr.ind lr, $3  }
0x3a: {  	_ = 	snop  }
0x3b: {  	_ = 	snop  }
0x3c: {  	p2 =	seq.s32 s10, $0x1;
	s10 =	sld [smem:$0x3FB6]  }
0x3d: {  	_ =	shalt  }
0x3e: {  	_ =	shalt  }
0x3f: {  	_ =	shalt  }
0x40: {  	_ =	shalt  }
0x41: {  	_ =	shalt  }
0x42: {  	_ =	shalt  }
0x43: {  	_ =	shalt  }
0x44: {  	_ =	shalt  }
0x45: {  	_ =	shalt  }
0x46: {  	_ =	shalt  }
0x47: {  	_ =	shalt  }
0x48: {  	_ =	shalt  }
0x49: {  	_ =	shalt  }
0x4a: {  	_ =	shalt  }
0x4b: {  	_ =	shalt  }
0x4c: {  	_ =	shalt  }
0x4d: {  	_ =	shalt  }
0x4e: {  	_ =	shalt  }
0x4f: {  	_ =	shalt  }
0x50: {  	_ =	shalt  }
0x51: {  	_ =	shalt  }
0x52: {  	_ =	shalt  }
0x53: {  	_ =	shalt  }
0x54: {  	_ =	shalt  }
0x55: {  	_ =	shalt  }
0x56: {  	_ =	shalt  }
0x57: {  	_ =	shalt  }
0x58: {  	_ =	shalt  }
0x59: {  	_ =	shalt  }
0x5a: {  	_ =	shalt  }
0x5b: {  	_ =	shalt  }
0x5c: {  	_ =	shalt  }
0x5d: {  	_ =	shalt  }
0x5e: {  	_ =	shalt  }
0x5f: {  	_ =	shalt  }
0x60: {  	_ =	shalt  }
0x61: {  	_ =	shalt  }
0x62: {  	_ =	shalt  }
0x63: {  	_ =	shalt  }
0x64: {  	_ =	shalt  }
0x65: {  	_ =	shalt  }
0x66: {  	_ =	shalt  }
0x67: {  	_ =	shalt  }
0x68: {  	_ =	shalt  }
0x69: {  	_ =	shalt  }
0x6a: {  	_ =	shalt  }
0x6b: {  	_ =	shalt  }
0x6c: {  	_ =	shalt  }
0x6d: {  	_ =	shalt  }
0x6e: {  	_ =	shalt  }
0x6f: {  	_ =	shalt  }
0x70: {  	_ =	shalt  }
0x71: {  	_ =	shalt  }
0x72: {  	_ =	shalt  }
0x73: {  	_ =	shalt  }
0x74: {  	_ =	shalt  }
0x75: {  	_ =	shalt  }
0x76: {  	_ =	shalt  }
0x77: {  	_ =	shalt  }
0x78: {  	_ =	shalt  }
0x79: {  	_ =	shalt  }
0x7a: {  	_ =	shalt  }
0x7b: {  	_ =	shalt  }
0x7c: {  	_ =	shalt  }
0x7d: {  	_ =	shalt  }
0x7e: {  	_ =	shalt  }
0x7f: {  	_ =	shalt  }
0x80: {  	_ =	shalt  }
0x81: {  	_ =	shalt  }
0x82: {  	_ =	shalt  }
0x83: {  	_ =	shalt  }
0x84: {  	_ =	shalt  }
0x85: {  	_ =	shalt  }
0x86: {  	_ =	shalt  }
0x87: {  	_ =	shalt  }
.Lfunc_end0:
.L_simem_size_0:
called_computation_lowered:
.L_overlay_start_0:
0x88: {  	s2 =	sld [smem:$0x3FD9]  }
0x89: {  	s3 =	sld [smem:$0x3FFE];
	_ =	sdelay $0x1  }
0x8a: {  	s1 =	srdreg.scid  }
0x8b: {  	s0 =	sand.u32 $0x1, s1  }
0x8c: {  	s17 =	sshll.u32 s0, $0xA;
	s2 =	sadd.s32 s3, s2  }
0x8d: {  	s2 =	sadd.s32 s2, s17  }
0x8e: {  	[smem:$0x3FC2] =	sst s2  }
0x8f: {  	_ = 	snop  }
0x90: {  	s2 =	sld [smem:$0x3FD0];
	(tm) =	ssettm $0x1  }
0x91: {  	s18 =	sld [smem:$0x3FFB];
	_ =	sdelay $0x3  }
0x92: {  	_ =	strace s18  }
0x93: {  	s3 =	sld [smem:$0x3FFC];
	_ =	sdelay $0x3  }
0x94: {  	_ =	strace s3  }
0x95: {  	s3 =	sld [smem:$0x3FFD];
	_ =	sdelay $0x3  }
0x96: {  	_ =	strace s3  }
0x97: {  	_ =	strace $0x8FFFFFFF  }
0x98: {  	s19 =	sld [smem:$0x3FDB];
	_ =	sdelay $0x1  }
0x99: {  	s4 =	simm.s32 $_scs_section_size  }
0x9a: {  	s5 =	simm.s32 $_size__tile_overlayer_lowered;
	s6 =	simm.s32 $_tile_overlayer_lowered  }
0x9b: {  	s22 =	simm.s32 $0x1BFF;
	s21 =	sshll.u32 s6, $0x1;
	s3 =	sadd.s32 s4, s19  }
0x9c: {  	s7 =	simm.s32 $0x0;
	s20 =	sshll.u32 s5, $0x1;
	s5 =	sadd.s32 s21, s3  }
0x9d: {  	[timem:s7], [sflag:s22] =	dma.local [hbm:s5], s20  }
0x9e: {  	_ =	swait.ge [sflag:s22], s20  }
0x9f: {  	s4 =	ssub.s32 $0x0, s20;
	[sflag:s22] =	ssyncset.done $0x0  }
0xa0: {  	[sflag:s22] =	ssyncadd.s32 s4;
	_ =	sdelay $0x1  }
0xa1: {  	s23 =	simm.s32 $0x1B8B  }
0xa2: {  	_ =	swait.ge [sflag:s23], $0x1  }
0xa3: {  	[sflag:s23] =	ssyncset.done $0x0  }
0xa4: {  	s25 =	simm.s32 $0x1B8E;
	s24 =	sld [smem:$0x3FFE];
	[sflag:s23] =	ssyncadd.s32 $0xFFFFFFFF  }
0xa5: {  	s26 =	simm.s32 $execute0_lowered;
	[smem:$0x3FD2] =	sst s25  }
0xa6: {  	s5 =	sshll.u32 s26, $0x1;
	_ =	strace $0x80000046;
	[dreg:$0x1] =	wrdreg $0xFFFFFFFF  }
0xa7: {  	s28 =	simm.s32 $_size_execute0_lowered;
	s3 =	sadd.s32 s3, s5;
	[dreg:$0x0] =	wrdreg $0x0  }
0xa8: {  	s5 =	sshll.u32 s28, $0x1;
	[dreg:$0x2] =	wrdreg s3  }
0xa9: {  	[dreg:$0x3] =	wrdreg s5  }
0xaa: {  	[dreg:$0x4] =	wrdreg $0xC0  }
0xab: {  	_ =	task [dreg:s7], $0x5FFFF  }
0xac: {  	[dreg:$0x1] =	wrdreg $0xFFFFFFFF  }
0xad: {  	[dreg:$0x0] =	wrdreg $0x60  }
0xae: {  	[dreg:$0x2] =	wrdreg s24  }
0xaf: {  	[dreg:$0x3] =	wrdreg s2  }
0xb0: {  	[dreg:$0x4] =	wrdreg $0x0  }
0xb1: {  	[dreg:$0x5] =	wrdreg $0x9  }
0xb2: {  	_ =	task.clear_ibuf [dreg:s7], $0x6FFFF;
	_ =	strace $0x90000046  }
0xb3: {  	s29 =	simm.s32 $0x9;
	_ =	strace $0x80000048  }
0xb4: {  	_ =	swait.ge [sflag:s29], $0x1  }
0xb5: {  	[sflag:s29] =	ssyncadd.s32 $0xFFFFFFFF  }
0xb6: {  	_ =	strace $0x90000048  }
0xb7: {  	_ =	sfence  }
0xb8: {  	s30 =	sld [smem:$0x0];
	_ =	sdelay $0x2  }
0xb9: {  	s31 =	sshll.u32 s1, $0xD;
	s1 =	sshrl.u32 s1, $0x2  }
0xba: {  	s3 =	sand.u32 $0x4000, s31;
	s1 =	sadd.s32 s1, s30  }
0xbb: {  	s0 =	sor.u32 s3, s0;
	s1 =	sshll.u32 s1, $0x11  }
0xbc: {  	s0 =	sor.u32 s1, s0  }
0xbd: {  	s0 =	sadd.s32 $0x8F2B, s0  }
0xbe: {  	[sflag:s0] =	ssyncadd.remote.s32 $0x1  }
0xbf: {  	_ =	sfence.sel $0xFFFF  }
0xc0: {  	[dreg:$0x0] =	wrdreg $0xFFFFFFFF;
	(pc) =	sbr.abs _section_cstart, $3  }
0xc1: {  	[dreg:$0x1] =	wrdreg $0xFFFFFFFF  }
0xc2: {  	_ =	task.clear_ibuf [dreg:s7], $0x2FFFF;
	_ =	strace $0x9FFFFFFF  }
0xc3: {  	(tm) =	ssettm $0x7FFFFFFF  }
tec
execute0_lowered:
.L_overlay_start_1:
0x0: {  	(tag) =	ssettag $0x1  }
0x1: {  	s0 =	srdreg.scid  }
0x2: {  	s5 =	sand.u32 $0x1, s0  }
0x3: {  	s8 =	sshll.u32 s5, $0x4;
	s5 =	ssub.s32 $0x2, s5  }
0x4: {  	s3 =	rddreg [dreg:$0x0];
	s10 =	sshrl.u32 s5, $0x1  }
0x5: {  	s4 =	rddreg [dreg:$0x1];
	s5 =	ssub.s32 s5, s10  }
0x6: {  	s7 =	stileid.u32;
	s1 =	rddreg [dreg:$0x2];
	s31 =	smax.u32 s5, $0x1  }
0x7: {  	s2 =	simm.s32 $0x0;
	s11 =	simm.s32 $0x1388;
	s14 =	sadd.s32 $0xFFFFFFFF, s31  }
0x8: {  	p1 =	por $0x0, $0x0;
	s0 =	rddreg [dreg:$0x3];
	p2 =	sne.s32 s14, $0x0  }
.Ltmp0:
0x9: {  	[smem:$0x7FF] =	sst s2;
	s6 =	sor.u32 s7, s8;
	(pc) =	sbr.rel @!p2 .LBB2_3-.Ltmp0, $4  }
0xa: {  	p0 =	sne.s32 s7, $0x0;
	_ =	strace $0x80000047;
	s6 =	smul.u32 $0x271, s6  }
0xb: {  	s7 =	simm.s32 $0x1;
	s10 =	simm.s32 $0x1678;
	s5 =	sshrl.u32 @!p0 s1, $0x3  }
0xc: {  	s9 =	sadd.s32 s6, s3;
	s6 =	sadd.s32 $0xB000, s3;
	s3 =	sadd.s32 s8, s3  }
0xd: {  	s8 =	simm.s32 $0x278;
	s9 =	sadd.s32 $0x1000, s9;
	s3 =	sadd.s32 $0xB400, s3  }
0xe: {  	s13 =	simm.s32 @!p0 $0x1C01;
	s12 =	simm.s32 @!p0 $0x1  }
0xf: {  	[spmem:s5], [sflag:s13] =	dma.local @!p0 [hbm:s4], $0x4F0  }
0x10: {  	_ =	swait.ge @!p0 [sflag:s12], $0x4F0  }
0x11: {  	[sflag:s12] =	ssyncset.done @!p0 $0x0  }
0x12: {  	[sflag:s12] =	ssyncadd.s32 @!p0 $0xFFFFFB10  }
0x13: {  	[bflag:$0x0] =	sbarrier.arrive $0xFFFF  }
0x14: {  	[tilespmem:s8], [sflag:$0x1] =	stream.linear.gather [hbm4b:s9+s2], $0x1388, $0x38;
	[tilespmem:$0x2A78] =	vst v63  }
0x15: {  	_ =	swait.ge [sflag:s7], $0x1388  }
0x16: {  	[sflag:s7] =	ssyncset.done $0x0  }
0x17: {  	[sflag:s7] =	ssyncadd.s32 $0xFFFFEC78  }
0x18: {  	[tilespmem:s10], [sflag:$0x1] =	stream.linear.gather [hbm4b:s6+s2], $0x1400, $0x38;
	[tilespmem:$0x2A78] =	vst v63  }
0x19: {  	_ =	swait.ge [sflag:s7], $0x1400  }
0x1a: {  	[sflag:s7] =	ssyncset.done $0x0  }
0x1b: {  	[sflag:s7] =	ssyncadd.s32 $0xFFFFEC00  }
0x1c: {  	[spmem:s1] =	stream.indirect.scatter.add.f32 [tilespmem:s10], [sflag:$0x1], $0x1, s8, s11, $0xb8;
	[tilespmem:$0x2A78] =	vst v63  }
0x1d: {  	s14 =	sadd.s32 $0xFFFFFFFF, s14;
	_ =	swait.ge [sflag:s7], $0x1388  }
0x1e: {  	p2 =	sne.s32 s14, $0x0;
	[sflag:s7] =	ssyncset.done $0x0  }
.Ltmp1:
0x1f: {  	[sflag:s7] =	ssyncadd.s32 $0xFFFFEC78;
	(pc) =	sbr.rel @!p2 .LBB2_3-.Ltmp1, $4  }
0x20: {  	s15 =	simm.s32 @!p0 $0x20;
	s16 =	simm.s32 @!p0 $0x10;
	[bflag:$0x0] =	sbarrier.arrive $0xFFFF  }
0x21: {  	[hbm:s3@s15], [sflag:s13] =	dma.strided @!p0 [spmem:s5@s16], $0x4F0, s12, $0x10   }
0x22: {  	_ =	swait.ge @!p0 [sflag:s12], $0x4F0  }
0x23: {  	p1 =	por $0x1, $0x1;
	[sflag:s12] =	ssyncset.done @!p0 $0x0  }
.LBB2_2:
0x24: {  	[sflag:s12] =	ssyncadd.s32 @!p0 $0xFFFFFB10  }
0x25: {  	[spmem:s5], [sflag:s13] =	dma.local @!p0 [hbm:s4], $0x4F0  }
0x26: {  	s14 =	sadd.s32 $0xFFFFFFFF, s14;
	_ =	swait.ge @!p0 [sflag:s12], $0x4F0  }
0x27: {  	p2 =	sne.s32 s14, $0x0;
	[sflag:s12] =	ssyncset.done @!p0 $0x0  }
0x28: {  	[sflag:s12] =	ssyncadd.s32 @!p0 $0xFFFFFB10  }
0x29: {  	[bflag:$0x0] =	sbarrier.arrive $0xFFFF  }
0x2a: {  	[tilespmem:s8], [sflag:$0x1] =	stream.linear.gather [hbm4b:s9+s2], $0x1388, $0x38;
	[tilespmem:$0x2A78] =	vst v63  }
0x2b: {  	_ =	swait.ge [sflag:s7], $0x1388  }
0x2c: {  	[sflag:s7] =	ssyncset.done $0x0  }
0x2d: {  	[sflag:s7] =	ssyncadd.s32 $0xFFFFEC78  }
0x2e: {  	[tilespmem:s10], [sflag:$0x1] =	stream.linear.gather [hbm4b:s6+s2], $0x1400, $0x38;
	[tilespmem:$0x2A78] =	vst v63  }
0x2f: {  	_ =	swait.ge [sflag:s7], $0x1400  }
0x30: {  	[sflag:s7] =	ssyncset.done $0x0  }
0x31: {  	[sflag:s7] =	ssyncadd.s32 $0xFFFFEC00  }
0x32: {  	[spmem:s1] =	stream.indirect.scatter.add.f32 [tilespmem:s10], [sflag:$0x1], $0x1, s8, s11, $0xb8;
	[tilespmem:$0x2A78] =	vst v63  }
0x33: {  	_ =	swait.ge [sflag:s7], $0x1388  }
0x34: {  	[sflag:s7] =	ssyncset.done $0x0  }
.Ltmp2:
0x35: {  	[sflag:s7] =	ssyncadd.s32 $0xFFFFEC78;
	(pc) =	sbr.rel @p2 .LBB2_2-.Ltmp2, $4  }
0x36: {  	[bflag:$0x0] =	sbarrier.arrive $0xFFFF  }
0x37: {  	[hbm:s3@s15], [sflag:s13] =	dma.strided @!p0 [spmem:s5@s16], $0x4F0, s12, $0x10   }
0x38: {  	_ =	swait.ge @!p0 [sflag:s12], $0x4F0  }
0x39: {  	[sflag:s12] =	ssyncset.done @!p0 $0x0  }
.LBB2_3:
0x3a: {  	p1 =	por p0, !p1  }
0x3b: {  	s13 =	simm.s32 @!p0 $0x1C01;
	s14 =	simm.s32 @!p0 $0x1;
	[sflag:s12] =	ssyncadd.s32 @!p1 $0xFFFFFB10  }
0x3c: {  	[spmem:s5], [sflag:s13] =	dma.local @!p0 [hbm:s4], $0x4F0  }
0x3d: {  	_ =	swait.ge @!p0 [sflag:s14], $0x4F0  }
0x3e: {  	[sflag:s14] =	ssyncset.done @!p0 $0x0  }
0x3f: {  	[sflag:s14] =	ssyncadd.s32 @!p0 $0xFFFFFB10  }
0x40: {  	[bflag:$0x0] =	sbarrier.arrive $0xFFFF  }
0x41: {  	[tilespmem:s8], [sflag:$0x1] =	stream.linear.gather [hbm4b:s9+s2], $0x1388, $0x38;
	[tilespmem:$0x2A78] =	vst v63  }
0x42: {  	_ =	swait.ge [sflag:s7], $0x1388  }
0x43: {  	[sflag:s7] =	ssyncset.done $0x0  }
0x44: {  	[sflag:s7] =	ssyncadd.s32 $0xFFFFEC78  }
0x45: {  	[tilespmem:s10], [sflag:$0x1] =	stream.linear.gather [hbm4b:s6+s2], $0x1400, $0x38;
	[tilespmem:$0x2A78] =	vst v63  }
0x46: {  	_ =	swait.ge [sflag:s7], $0x1400  }
0x47: {  	[sflag:s7] =	ssyncset.done $0x0  }
0x48: {  	[sflag:s7] =	ssyncadd.s32 $0xFFFFEC00  }
0x49: {  	[spmem:s1] =	stream.indirect.scatter.add.f32 [tilespmem:s10], [sflag:$0x1], $0x1, s8, s11, $0xb8;
	[tilespmem:$0x2A78] =	vst v63  }
0x4a: {  	_ =	swait.ge [sflag:s7], $0x1388  }
0x4b: {  	[sflag:s7] =	ssyncset.done $0x0  }
0x4c: {  	[sflag:s7] =	ssyncadd.s32 $0xFFFFEC78  }
0x4d: {  	s2 =	simm.s32 @!p0 $0x10;
	s1 =	simm.s32 @!p0 $0x20;
	[bflag:$0x0] =	sbarrier.arrive $0xFFFF  }
0x4e: {  	[hbm:s3@s1], [sflag:s13] =	dma.strided @!p0 [spmem:s5@s2], $0x4F0, s14, $0x10   }
0x4f: {  	_ =	swait.ge @!p0 [sflag:s14], $0x4F0  }
0x50: {  	[sflag:s14] =	ssyncset.done @!p0 $0x0  }
0x51: {  	[sflag:s14] =	ssyncadd.s32 @!p0 $0xFFFFFB10  }
0x52: {  	_ =	sfence.sel $0x180000  }
0x53: {  	[bflag:$0x0] =	sbarrier.arrive $0xFFFF  }
0x54: {  	_ =	strace $0x90000047  }
0x55: {  	s0 =	sadd.s32 @!p0 $0x100000, s0;
	[bflag:$0x2] =	sbarrier.arrive $0xFFFF  }
0x56: {  	[sflag:s0] =	ssyncadd.tile.s32 @!p0 $0x1;
	_ =	shalt  }
.Lfunc_end2:
_tile_overlayer_lowered:
.L_overlay_start_2:
0x57: {  	(tag) =	ssettag $0x2  }
0x58: {  	s0 =	rddreg [dreg:$0x0];
	s2 =	stileid.u32  }
0x59: {  	s1 =	rddreg [dreg:$0x1];
	p0 =	sne.s32 s2, $0x0  }
0x5a: {  	s3 =	rddreg [dreg:$0x2];
	[bflag:$0x3] =	sbarrier.arrive $0xFFFF;
	s2 =	simm.s32 @!p0 $0x1C01  }
0x5b: {  	[timem:s3], [sflag:s2] =	dma.local @!p0 [hbm:s0], s1  }
0x5c: {  	s0 =	simm.s32 @!p0 $0x1  }
0x5d: {  	_ =	swait.ge @!p0 [sflag:s0], s1  }
0x5e: {  	s1 =	ssub.s32 @!p0 $0x0, s1;
	[sflag:s0] =	ssyncset.done @!p0 $0x0  }
0x5f: {  	[sflag:s0] =	ssyncadd.s32 @!p0 s1  }
0x60: {  	[bflag:$0x3] =	sbarrier.arrive $0xFFFF  }
0x61: {  	_ =	shalt  }

</sc_bundles>
